<compile_context>
chip_gen: v7x
topology: tpu7x:2x2x1
jax: 0.10.2.dev20260603
libtpu: 0.0.44.dev20260713+nightly
codegen_flags: <defaults>
</compile_context>

<pallas_src>
import functools

import jax
import jax.numpy as jnp
from jax import lax
from jax.experimental import pallas as pl
from jax.experimental.pallas import tpu as pltpu
from jax.experimental.pallas import tpu_sc as plsc

TEMP = 0.05
KTOP = 10
N_SAMPLES = 100000
N_FEAT = 128
N_CLASSES = 751
B = 1024

CHUNK = 2048
NCHUNK = 49
NPAD = NCHUNK * CHUNK
NBLK = NPAD // 128
NBLK_PAD = 896
KBLK = 12
CPAD = 768
NEG = -1e30


def _heavy_body(inputs_ref, feat_ref, lab_ref, s_ref, bm_ref, classf_ref,
                cnt_ref):
    c = pl.program_id(0)

    @pl.when(c == 0)
    def _init():
        classf_ref[...] = jnp.zeros((CPAD, N_FEAT), jnp.float32)
        cnt_ref[...] = jnp.zeros((CPAD, N_FEAT), jnp.float32)

    feat = feat_ref[0]
    s = lax.dot_general(inputs_ref[...], feat,
                        (((1,), (1,)), ((), ())),
                        preferred_element_type=jnp.float32)
    col = c * CHUNK + lax.broadcasted_iota(jnp.int32, (B, CHUNK), 1)
    s = jnp.where(col < N_SAMPLES, s, NEG)
    s3 = s.reshape(B, CHUNK // 128, 128)
    s_ref[...] = s3
    bm_ref[...] = jnp.max(s3, axis=2).reshape(1, B, CHUNK // 128)

    labs = lab_ref[0]
    oh = (lax.broadcasted_iota(jnp.int32, (CPAD, CHUNK), 0) == labs)
    classf_ref[...] += lax.dot_general(oh.astype(jnp.bfloat16), feat,
                                       (((1,), (0,)), ((), ())),
                                       preferred_element_type=jnp.float32)
    cnt_ref[...] += jnp.broadcast_to(
        jnp.sum(oh.astype(jnp.float32), axis=1, keepdims=True),
        (CPAD, N_FEAT))


def _run_heavy(inputs_bf, featp, labp):
    return pl.pallas_call(
        _heavy_body,
        grid=(NCHUNK,),
        in_specs=[
            pl.BlockSpec((B, N_FEAT), lambda c: (0, 0)),
            pl.BlockSpec((1, CHUNK, N_FEAT), lambda c: (c, 0, 0)),
            pl.BlockSpec((1, 1, CHUNK), lambda c: (c, 0, 0)),
        ],
        out_specs=[
            pl.BlockSpec((B, CHUNK // 128, 128), lambda c: (0, c, 0)),
            pl.BlockSpec((1, B, CHUNK // 128), lambda c: (c, 0, 0)),
            pl.BlockSpec((CPAD, N_FEAT), lambda c: (0, 0)),
            pl.BlockSpec((CPAD, N_FEAT), lambda c: (0, 0)),
        ],
        out_shape=[
            jax.ShapeDtypeStruct((B, NPAD // 128, 128), jnp.float32),
            jax.ShapeDtypeStruct((NCHUNK, B, CHUNK // 128), jnp.float32),
            jax.ShapeDtypeStruct((CPAD, N_FEAT), jnp.float32),
            jax.ShapeDtypeStruct((CPAD, N_FEAT), jnp.float32),
        ],
    )(inputs_bf, featp, labp)


def _select_body(m_ref, bidx_ref):
    m = m_ref[...]
    lane = lax.broadcasted_iota(jnp.int32, (B, NBLK_PAD), 1)
    row = lax.broadcasted_iota(jnp.int32, (B, 1), 0)
    for r in range(KBLK):
        mx = jnp.max(m, axis=1, keepdims=True)
        pos = jnp.min(jnp.where(m == mx, lane, jnp.int32(2 ** 30)),
                      axis=1, keepdims=True)
        bidx_ref[:, r:r + 1] = row * NBLK + pos
        m = jnp.where(lane == pos, NEG, m)


def _run_select(mpad):
    return pl.pallas_call(
        _select_body,
        out_shape=jax.ShapeDtypeStruct((B, KBLK), jnp.int32),
    )(mpad)


NSUB = 32
GW = B * KBLK // NSUB
TW = B // NSUB


def _sc_gather(stable, gidx2d, lab2d, rowids):
    mesh = plsc.VectorSubcoreMesh(core_axis_name="c", subcore_axis_name="s")

    @functools.partial(
        pl.kernel, mesh=mesh,
        out_type=[
            jax.ShapeDtypeStruct((B * KBLK, 128), jnp.float32),
            jax.ShapeDtypeStruct((B, 128), jnp.int32),
        ],
        scratch_types=[
            pltpu.VMEM((B * KBLK // 128, 128), jnp.int32),
            pltpu.VMEM((GW, 128), jnp.float32),
            pltpu.VMEM((TW,), jnp.int32),
            pltpu.VMEM((TW, 128), jnp.int32),
            pltpu.SemaphoreType.DMA,
        ],
    )
    def k(stable_hbm, gidx_hbm, lab_hbm, idx_hbm, cand_hbm, tgt_hbm,
          idx_v, rows_v, tidx_v, tout_v, sem):
        wid = lax.axis_index("s") * 2 + lax.axis_index("c")
        pltpu.sync_copy(gidx_hbm, idx_v)
        descs = []
        for j in range(3):
            descs.append(
                pltpu.async_copy(stable_hbm.at[idx_v.at[wid * 3 + j]],
                                 rows_v.at[pl.ds(j * 128, 128)], sem))
        for d in descs:
            d.wait()
        pltpu.sync_copy(rows_v, cand_hbm.at[pl.ds(wid * GW, GW)])

        tbase = wid * TW
        pltpu.sync_copy(idx_hbm.at[pl.ds(tbase, TW)], tidx_v)
        pltpu.async_copy(lab_hbm.at[tidx_v], tout_v, sem).wait()
        pltpu.sync_copy(tout_v, tgt_hbm.at[pl.ds(tbase, TW)])

    return k(stable, gidx2d, lab2d, rowids)


def _final_body(inputs_ref, inputs_s_ref, cand_ref, classf_ref, cnt_ref,
                lrow_ref, lsel_ref, loss_ref):
    cand = cand_ref[...]
    lane = lax.broadcasted_iota(jnp.int32, (B, KBLK * 128), 1)
    acc = jnp.zeros((B, 1), jnp.float32)
    for _ in range(KTOP):
        mx = jnp.max(cand, axis=1, keepdims=True)
        pos = jnp.min(jnp.where(cand == mx, lane, jnp.int32(2 ** 30)),
                      axis=1, keepdims=True)
        acc += mx
        cand = jnp.where(lane == pos, NEG, cand)

    x = inputs_ref[...]
    dvec = jnp.sum(x * inputs_s_ref[...], axis=1, keepdims=True)
    diag = (dvec + acc) / TEMP

    simt = lax.dot_general(x, classf_ref[...],
                           (((1,), (1,)), ((), ())),
                           preferred_element_type=jnp.float32) / TEMP

    eye = (lax.broadcasted_iota(jnp.int32, (CPAD, CPAD), 0) ==
           lax.broadcasted_iota(jnp.int32, (CPAD, CPAD), 1)
           ).astype(jnp.float32)
    cnt_row = lax.dot_general(cnt_ref[:, :1], eye,
                              (((0,), (0,)), ((), ())),
                              preferred_element_type=jnp.float32)

    lane128 = lax.broadcasted_iota(jnp.int32, (B, 128), 1)
    tgt = jnp.sum(jnp.where(lane128 == lsel_ref[...], lrow_ref[...], 0),
                  axis=1, keepdims=True)
    toh = (lax.broadcasted_iota(jnp.int32, (B, CPAD), 1) ==
           tgt).astype(jnp.float32)
    tcnt = jnp.sum(toh, axis=0, keepdims=True)
    nums = cnt_row + jnp.where(tcnt > 0, KTOP + 1.0, 0.0)
    mask = (nums > 0).astype(jnp.float32)
    den = mask * nums + (1.0 - mask)

    v = (simt + toh * diag) / den
    exps = jnp.exp(v) * mask
    sums = jnp.sum(exps, axis=1, keepdims=True) + 1e-6
    p = jnp.sum(toh * exps, axis=1, keepdims=True) / sums
    logp = jnp.log(p + 1e-6)
    loss_ref[...] = -jnp.sum(logp, axis=0, keepdims=True) / B


def _run_final(inputs, inputs_s, cand_bf, classf, cnt, lrows, lanesel):
    return pl.pallas_call(
        _final_body,
        out_shape=jax.ShapeDtypeStruct((1, 1), jnp.float32),
    )(inputs, inputs_s, cand_bf, classf, cnt, lrows, lanesel)


def kernel(inputs, inputs_s, indexes, labels, features, k):
    del k
    featp = jnp.pad(features, ((0, NPAD - N_SAMPLES), (0, 0))
                    ).astype(jnp.bfloat16).reshape(NCHUNK, CHUNK, N_FEAT)
    labp = jnp.pad(labels, (0, NPAD - N_SAMPLES), constant_values=-1
                   ).reshape(NCHUNK, 1, CHUNK)
    inputs_bf = inputs.astype(jnp.bfloat16)

    s3, bm, classf, cnt = _run_heavy(inputs_bf, featp, labp)
    m2 = jnp.transpose(bm, (1, 0, 2)).reshape(B, NBLK)
    mpad = jnp.pad(m2, ((0, 0), (0, NBLK_PAD - NBLK)), constant_values=NEG)
    bidx = _run_select(mpad)

    stable = s3.reshape(B * NBLK, 128)
    gidx2d = bidx.reshape(B * KBLK // 128, 128)
    lab2d = jnp.pad(labels, (0, 100096 - N_SAMPLES)).reshape(782, 128)
    rowids = lax.shift_right_logical(indexes, 7)
    lanesel = lax.bitwise_and(indexes, 127).reshape(B, 1)

    candf, lrows = _sc_gather(stable, gidx2d, lab2d, rowids)

    cand_f = candf.reshape(B, KBLK * 128)
    loss = _run_final(inputs, inputs_s, cand_f, classf, cnt,
                      lrows, lanesel)
    return loss.reshape(())

# --- scband reference (transcript-rebuilt; emitter-appended) ---
"""Pipeline reference for scband-memory-bank-14851996909912 (READ-ONLY COPY).

The authoritative reference and input builder live on the scoring server;
editing this copy changes nothing except your own understanding.
"""

import jax, jax.numpy as jnp
import numpy as np

NUM_SAMPLES = 100000
NUM_FEATURES = 128
NUM_CLASSES = 751
BATCH = 1024
TEMP = 0.05
K = 10


def setup_inputs(seed: int = 0) -> dict:
    key = jax.random.key(seed)
    k1, k2, k3, k4, k5 = jax.random.split(key, 5)
    inputs = jax.random.normal(k1, (BATCH, NUM_FEATURES), dtype=jnp.float32)
    inputs = inputs / (jnp.linalg.norm(inputs, axis=1, keepdims=True) + 1e-12)
    inputs_s = jax.random.normal(k2, (BATCH, NUM_FEATURES), dtype=jnp.float32)
    inputs_s = inputs_s / (jnp.linalg.norm(inputs_s, axis=1, keepdims=True) + 1e-12)
    indexes = jax.random.randint(k3, (BATCH,), 0, NUM_SAMPLES, dtype=jnp.int32)
    labels = jax.random.randint(k4, (NUM_SAMPLES,), 0, NUM_CLASSES, dtype=jnp.int32)
    features = jax.random.normal(k5, (NUM_SAMPLES, NUM_FEATURES), dtype=jnp.float32)
    features = features / (jnp.linalg.norm(features, axis=1, keepdims=True) + 1e-12)
    return {"inputs": inputs, "inputs_s": inputs_s, "indexes": indexes,
            "labels": labels, "features": features, "k": K}


def reference(inputs, inputs_s, indexes, labels, features, k):
    temp = TEMP
    B = inputs.shape[0]
    # mb(): inputs.mm(features.t()) / temp
    inputs_out = (inputs @ features.T) / temp
    # local similarity between weak/strong views
    local = inputs @ inputs_s.T
    # top-k neighbors from the memory bank
    _, neibor_idx = jax.lax.top_k(inputs_out, K)          # [B, k]
    neibor_ftr = jnp.transpose(features[neibor_idx], (0, 2, 1))  # [B, d, k]
    # bmm(inputs[:,None,:], neibor_ftr) -> [B,1,k]; sum(-1) -> [B,1]
    _local = jnp.matmul(inputs[:, None, :], neibor_ftr).sum(-1)  # [B, 1]
    local = (local + jnp.broadcast_to(_local, local.shape)) * jnp.eye(B, dtype=local.dtype)
    local = local / temp
    targets = labels[indexes]
    C = NUM_CLASSES
    # sim: index_add over labels and targets
    sim = jnp.zeros((C, B), dtype=jnp.float32)
    sim = sim.at[labels].add(inputs_out.T)
    sim = sim.at[targets].add(local)
    nums = jnp.zeros((C, 1), dtype=jnp.float32).at[labels].add(
        jnp.ones((labels.shape[0], 1), dtype=jnp.float32))
    nums_help = jnp.zeros((C, 1), dtype=jnp.float32).at[targets].add(
        jnp.ones((B, 1), dtype=jnp.float32))
    nums = nums + (nums_help > 0).astype(jnp.float32) * (k + 1.0)
    mask = (nums > 0).astype(jnp.float32)  # [C, 1]
    sim = sim / (mask * nums + (1.0 - mask))
    mask_full = jnp.broadcast_to(mask, sim.shape)
    # masked_softmax(sim.T, mask.T, dim=1)
    vec = sim.T
    m = mask_full.T
    exps = jnp.exp(vec)
    masked_exps = exps * m
    masked_sums = masked_exps.sum(1, keepdims=True) + 1e-06
    masked_sim = masked_exps / masked_sums
    # F.nll_loss(log(masked_sim + 1e-6), targets), mean reduction
    logp = jnp.log(masked_sim + 1e-06)
    loss1 = -jnp.mean(logp[jnp.arange(B), targets])
    return loss1

if __name__ == "__main__":
    import jax
    _d = setup_inputs()
    print(jax.jit(kernel)(*tuple(_d.values())))

</pallas_src>

<mosaic_0001>
#map = affine_map<(d0, d1) -> (0, 0)>
#map1 = affine_map<(d0, d1) -> (0)>
module attributes {stable_mosaic.version = 14 : i64} {
  func.func @k(%arg0: i32, %arg1: i32, %arg2: memref<802816x128xf32, #tpu.memory_space<hbm>>, %arg3: memref<96x128xi32, #tpu.memory_space<hbm>>, %arg4: memref<782x128xi32, #tpu.memory_space<hbm>>, %arg5: memref<1024xi32, #tpu.memory_space<hbm>>, %arg6: memref<12288x128xf32, #tpu.memory_space<hbm>>, %arg7: memref<1024x128xi32, #tpu.memory_space<hbm>>, %arg8: memref<96x128xi32, #tpu.memory_space<vmem>>, %arg9: memref<384x128xf32, #tpu.memory_space<vmem>>, %arg10: memref<32xi32, #tpu.memory_space<vmem>>, %arg11: memref<32x128xi32, #tpu.memory_space<vmem>>, %arg12: memref<!tpu.dma_semaphore, #tpu.memory_space<semaphore_mem>>) attributes {dimension_semantics = [#tpu.dimension_semantics<core_parallel>, #tpu.dimension_semantics<subcore_parallel>], iteration_bounds = array<i64: 2, 16>, scalar_prefetch = 0 : i64, scratch_operands = 5 : i64, tpu.core_type = #tpu.core_type<sc_vector_subcore>, window_params = [{transform_indices = #map}, {transform_indices = #map}, {transform_indices = #map}, {transform_indices = #map1}, {transform_indices = #map}, {transform_indices = #map}]} {
    %mul3A = arith.constant 2 : i32
    %mul3A_0 = arith.muli %arg1, %mul3A : i32
    %add3A = arith.addi %mul3A_0, %arg0 : i32
    "tpu.region"() ({
      %run_scoped3A = tpu.sem_alloc : memref<!tpu.dma_semaphore, #tpu.memory_space<semaphore_mem>>
      tpu.enqueue_dma source(%arg3 : memref<96x128xi32, #tpu.memory_space<hbm>>) target(%arg8 : memref<96x128xi32, #tpu.memory_space<vmem>>) target_semaphore(%run_scoped3A : memref<!tpu.dma_semaphore, #tpu.memory_space<semaphore_mem>>)
      tpu.wait_dma2 semaphore(%run_scoped3A : memref<!tpu.dma_semaphore, #tpu.memory_space<semaphore_mem>>) src(%arg3 : memref<96x128xi32, #tpu.memory_space<hbm>>) dst(%arg8 : memref<96x128xi32, #tpu.memory_space<vmem>>)
      tpu.yield
    }) : () -> ()
    %mul3A_1 = arith.constant 3 : i32
    %mul3A_2 = arith.muli %add3A, %mul3A_1 : i32
    %add3A_3 = arith.constant 0 : i32
    %add3A_4 = arith.addi %mul3A_2, %add3A_3 : i32
    %dma_start3A = arith.constant 0 : i32
    %dma_start3A_5 = arith.constant 0 : i32
    %dma_start3A_6 = tpu.memref_slice %arg9[%dma_start3A, %dma_start3A_5] : memref<384x128xf32, #tpu.memory_space<vmem>> -> memref<128x128xf32, #tpu.memory_space<vmem>>
    %dma_start3A_7 = arith.constant 0 : i32
    %dma_start3A_8 = tpu.memref_slice %arg8[%add3A_4, %dma_start3A_7] : memref<96x128xi32, #tpu.memory_space<vmem>> -> memref<1x128xi32, #tpu.memory_space<vmem>>
    %dma_start3A_9 = tpu.memref_squeeze %dma_start3A_8 : memref<1x128xi32, #tpu.memory_space<vmem>> -> memref<128xi32, #tpu.memory_space<vmem>>
    %dma_start3A_10 = arith.constant 0 : i32
    %dma_start3A_11 = arith.constant 0 : i32
    %dma_start3A_12 = tpu.memref_slice %arg2[%dma_start3A_10, %dma_start3A_11] : memref<802816x128xf32, #tpu.memory_space<hbm>> -> memref<802816x128xf32, #tpu.memory_space<hbm>>
    tpu.enqueue_indirect_dma source(%dma_start3A_12 : memref<802816x128xf32, #tpu.memory_space<hbm>>) target(%dma_start3A_6 : memref<128x128xf32, #tpu.memory_space<vmem>>) offsets(%dma_start3A_9 : memref<128xi32, #tpu.memory_space<vmem>>) semaphore(%arg12 : memref<!tpu.dma_semaphore, #tpu.memory_space<semaphore_mem>>)
    %mul3A_13 = arith.constant 3 : i32
    %mul3A_14 = arith.muli %add3A, %mul3A_13 : i32
    %add3A_15 = arith.constant 1 : i32
    %add3A_16 = arith.addi %mul3A_14, %add3A_15 : i32
    %dma_start3A_17 = arith.constant 128 : i32
    %dma_start3A_18 = arith.constant 0 : i32
    %dma_start3A_19 = tpu.memref_slice %arg9[%dma_start3A_17, %dma_start3A_18] : memref<384x128xf32, #tpu.memory_space<vmem>> -> memref<128x128xf32, #tpu.memory_space<vmem>>
    %dma_start3A_20 = arith.constant 0 : i32
    %dma_start3A_21 = tpu.memref_slice %arg8[%add3A_16, %dma_start3A_20] : memref<96x128xi32, #tpu.memory_space<vmem>> -> memref<1x128xi32, #tpu.memory_space<vmem>>
    %dma_start3A_22 = tpu.memref_squeeze %dma_start3A_21 : memref<1x128xi32, #tpu.memory_space<vmem>> -> memref<128xi32, #tpu.memory_space<vmem>>
    %dma_start3A_23 = arith.constant 0 : i32
    %dma_start3A_24 = arith.constant 0 : i32
    %dma_start3A_25 = tpu.memref_slice %arg2[%dma_start3A_23, %dma_start3A_24] : memref<802816x128xf32, #tpu.memory_space<hbm>> -> memref<802816x128xf32, #tpu.memory_space<hbm>>
    tpu.enqueue_indirect_dma source(%dma_start3A_25 : memref<802816x128xf32, #tpu.memory_space<hbm>>) target(%dma_start3A_19 : memref<128x128xf32, #tpu.memory_space<vmem>>) offsets(%dma_start3A_22 : memref<128xi32, #tpu.memory_space<vmem>>) semaphore(%arg12 : memref<!tpu.dma_semaphore, #tpu.memory_space<semaphore_mem>>)
    %mul3A_26 = arith.constant 3 : i32
    %mul3A_27 = arith.muli %add3A, %mul3A_26 : i32
    %add3A_28 = arith.constant 2 : i32
    %add3A_29 = arith.addi %mul3A_27, %add3A_28 : i32
    %dma_start3A_30 = arith.constant 256 : i32
    %dma_start3A_31 = arith.constant 0 : i32
    %dma_start3A_32 = tpu.memref_slice %arg9[%dma_start3A_30, %dma_start3A_31] : memref<384x128xf32, #tpu.memory_space<vmem>> -> memref<128x128xf32, #tpu.memory_space<vmem>>
    %dma_start3A_33 = arith.constant 0 : i32
    %dma_start3A_34 = tpu.memref_slice %arg8[%add3A_29, %dma_start3A_33] : memref<96x128xi32, #tpu.memory_space<vmem>> -> memref<1x128xi32, #tpu.memory_space<vmem>>
    %dma_start3A_35 = tpu.memref_squeeze %dma_start3A_34 : memref<1x128xi32, #tpu.memory_space<vmem>> -> memref<128xi32, #tpu.memory_space<vmem>>
    %dma_start3A_36 = arith.constant 0 : i32
    %dma_start3A_37 = arith.constant 0 : i32
    %dma_start3A_38 = tpu.memref_slice %arg2[%dma_start3A_36, %dma_start3A_37] : memref<802816x128xf32, #tpu.memory_space<hbm>> -> memref<802816x128xf32, #tpu.memory_space<hbm>>
    tpu.enqueue_indirect_dma source(%dma_start3A_38 : memref<802816x128xf32, #tpu.memory_space<hbm>>) target(%dma_start3A_32 : memref<128x128xf32, #tpu.memory_space<vmem>>) offsets(%dma_start3A_35 : memref<128xi32, #tpu.memory_space<vmem>>) semaphore(%arg12 : memref<!tpu.dma_semaphore, #tpu.memory_space<semaphore_mem>>)
    %dma_wait3A = arith.constant 0 : i32
    %dma_wait3A_39 = arith.constant 0 : i32
    %dma_wait3A_40 = tpu.memref_slice %arg9[%dma_wait3A, %dma_wait3A_39] : memref<384x128xf32, #tpu.memory_space<vmem>> -> memref<128x128xf32, #tpu.memory_space<vmem>>
    %dma_wait3A_41 = arith.constant 0 : i32
    %dma_wait3A_42 = tpu.memref_slice %arg8[%add3A_4, %dma_wait3A_41] : memref<96x128xi32, #tpu.memory_space<vmem>> -> memref<1x128xi32, #tpu.memory_space<vmem>>
    %dma_wait3A_43 = tpu.memref_squeeze %dma_wait3A_42 : memref<1x128xi32, #tpu.memory_space<vmem>> -> memref<128xi32, #tpu.memory_space<vmem>>
    %dma_wait3A_44 = arith.constant 0 : i32
    %dma_wait3A_45 = arith.constant 0 : i32
    %dma_wait3A_46 = tpu.memref_slice %arg2[%dma_wait3A_44, %dma_wait3A_45] : memref<802816x128xf32, #tpu.memory_space<hbm>> -> memref<802816x128xf32, #tpu.memory_space<hbm>>
    tpu.wait_indirect_dma semaphore(%arg12 : memref<!tpu.dma_semaphore, #tpu.memory_space<semaphore_mem>>) src(%dma_wait3A_46 : memref<802816x128xf32, #tpu.memory_space<hbm>>) dst(%dma_wait3A_40 : memref<128x128xf32, #tpu.memory_space<vmem>>)
    %dma_wait3A_47 = arith.constant 128 : i32
    %dma_wait3A_48 = arith.constant 0 : i32
    %dma_wait3A_49 = tpu.memref_slice %arg9[%dma_wait3A_47, %dma_wait3A_48] : memref<384x128xf32, #tpu.memory_space<vmem>> -> memref<128x128xf32, #tpu.memory_space<vmem>>
    %dma_wait3A_50 = arith.constant 0 : i32
    %dma_wait3A_51 = tpu.memref_slice %arg8[%add3A_16, %dma_wait3A_50] : memref<96x128xi32, #tpu.memory_space<vmem>> -> memref<1x128xi32, #tpu.memory_space<vmem>>
    %dma_wait3A_52 = tpu.memref_squeeze %dma_wait3A_51 : memref<1x128xi32, #tpu.memory_space<vmem>> -> memref<128xi32, #tpu.memory_space<vmem>>
    %dma_wait3A_53 = arith.constant 0 : i32
    %dma_wait3A_54 = arith.constant 0 : i32
    %dma_wait3A_55 = tpu.memref_slice %arg2[%dma_wait3A_53, %dma_wait3A_54] : memref<802816x128xf32, #tpu.memory_space<hbm>> -> memref<802816x128xf32, #tpu.memory_space<hbm>>
    tpu.wait_indirect_dma semaphore(%arg12 : memref<!tpu.dma_semaphore, #tpu.memory_space<semaphore_mem>>) src(%dma_wait3A_55 : memref<802816x128xf32, #tpu.memory_space<hbm>>) dst(%dma_wait3A_49 : memref<128x128xf32, #tpu.memory_space<vmem>>)
    %dma_wait3A_56 = arith.constant 256 : i32
    %dma_wait3A_57 = arith.constant 0 : i32
    %dma_wait3A_58 = tpu.memref_slice %arg9[%dma_wait3A_56, %dma_wait3A_57] : memref<384x128xf32, #tpu.memory_space<vmem>> -> memref<128x128xf32, #tpu.memory_space<vmem>>
    %dma_wait3A_59 = arith.constant 0 : i32
    %dma_wait3A_60 = tpu.memref_slice %arg8[%add3A_29, %dma_wait3A_59] : memref<96x128xi32, #tpu.memory_space<vmem>> -> memref<1x128xi32, #tpu.memory_space<vmem>>
    %dma_wait3A_61 = tpu.memref_squeeze %dma_wait3A_60 : memref<1x128xi32, #tpu.memory_space<vmem>> -> memref<128xi32, #tpu.memory_space<vmem>>
    %dma_wait3A_62 = arith.constant 0 : i32
    %dma_wait3A_63 = arith.constant 0 : i32
    %dma_wait3A_64 = tpu.memref_slice %arg2[%dma_wait3A_62, %dma_wait3A_63] : memref<802816x128xf32, #tpu.memory_space<hbm>> -> memref<802816x128xf32, #tpu.memory_space<hbm>>
    tpu.wait_indirect_dma semaphore(%arg12 : memref<!tpu.dma_semaphore, #tpu.memory_space<semaphore_mem>>) src(%dma_wait3A_64 : memref<802816x128xf32, #tpu.memory_space<hbm>>) dst(%dma_wait3A_58 : memref<128x128xf32, #tpu.memory_space<vmem>>)
    %mul3A_65 = arith.constant 384 : i32
    %mul3A_66 = arith.muli %add3A, %mul3A_65 : i32
    "tpu.region"() ({
      %run_scoped3A = tpu.sem_alloc : memref<!tpu.dma_semaphore, #tpu.memory_space<semaphore_mem>>
      %dma_start3A_75 = arith.constant 0 : i32
      %dma_start3A_76 = tpu.memref_slice %arg6[%mul3A_66, %dma_start3A_75] : memref<12288x128xf32, #tpu.memory_space<hbm>> -> memref<384x128xf32, #tpu.memory_space<hbm>>
      %dma_start3A_77 = arith.constant 0 : i32
      %dma_start3A_78 = tpu.memref_slice %arg6[%mul3A_66, %dma_start3A_77] : memref<12288x128xf32, #tpu.memory_space<hbm>> -> memref<384x128xf32, #tpu.memory_space<hbm>>
      tpu.enqueue_dma source(%arg9 : memref<384x128xf32, #tpu.memory_space<vmem>>) target(%dma_start3A_78 : memref<384x128xf32, #tpu.memory_space<hbm>>) target_semaphore(%run_scoped3A : memref<!tpu.dma_semaphore, #tpu.memory_space<semaphore_mem>>)
      %dma_wait3A_79 = arith.constant 0 : i32
      %dma_wait3A_80 = tpu.memref_slice %arg6[%mul3A_66, %dma_wait3A_79] : memref<12288x128xf32, #tpu.memory_space<hbm>> -> memref<384x128xf32, #tpu.memory_space<hbm>>
      %dma_wait3A_81 = arith.constant 0 : i32
      %dma_wait3A_82 = tpu.memref_slice %arg6[%mul3A_66, %dma_wait3A_81] : memref<12288x128xf32, #tpu.memory_space<hbm>> -> memref<384x128xf32, #tpu.memory_space<hbm>>
      tpu.wait_dma2 semaphore(%run_scoped3A : memref<!tpu.dma_semaphore, #tpu.memory_space<semaphore_mem>>) src(%arg9 : memref<384x128xf32, #tpu.memory_space<vmem>>) dst(%dma_wait3A_82 : memref<384x128xf32, #tpu.memory_space<hbm>>)
      tpu.yield
    }) : () -> ()
    %mul3A_67 = arith.constant 32 : i32
    %mul3A_68 = arith.muli %add3A, %mul3A_67 : i32
    "tpu.region"() ({
      %run_scoped3A = tpu.sem_alloc : memref<!tpu.dma_semaphore, #tpu.memory_space<semaphore_mem>>
      %dma_start3A_75 = tpu.memref_slice %arg5[%mul3A_68] : memref<1024xi32, #tpu.memory_space<hbm>> -> memref<32xi32, #tpu.memory_space<hbm>>
      %dma_start3A_76 = tpu.memref_slice %arg5[%mul3A_68] : memref<1024xi32, #tpu.memory_space<hbm>> -> memref<32xi32, #tpu.memory_space<hbm>>
      tpu.enqueue_dma source(%dma_start3A_76 : memref<32xi32, #tpu.memory_space<hbm>>) target(%arg10 : memref<32xi32, #tpu.memory_space<vmem>>) target_semaphore(%run_scoped3A : memref<!tpu.dma_semaphore, #tpu.memory_space<semaphore_mem>>)
      %dma_wait3A_77 = tpu.memref_slice %arg5[%mul3A_68] : memref<1024xi32, #tpu.memory_space<hbm>> -> memref<32xi32, #tpu.memory_space<hbm>>
      %dma_wait3A_78 = tpu.memref_slice %arg5[%mul3A_68] : memref<1024xi32, #tpu.memory_space<hbm>> -> memref<32xi32, #tpu.memory_space<hbm>>
      tpu.wait_dma2 semaphore(%run_scoped3A : memref<!tpu.dma_semaphore, #tpu.memory_space<semaphore_mem>>) src(%dma_wait3A_78 : memref<32xi32, #tpu.memory_space<hbm>>) dst(%arg10 : memref<32xi32, #tpu.memory_space<vmem>>)
      tpu.yield
    }) : () -> ()
    %dma_start3A_69 = arith.constant 0 : i32
    %dma_start3A_70 = arith.constant 0 : i32
    %dma_start3A_71 = tpu.memref_slice %arg4[%dma_start3A_69, %dma_start3A_70] : memref<782x128xi32, #tpu.memory_space<hbm>> -> memref<782x128xi32, #tpu.memory_space<hbm>>
    tpu.enqueue_indirect_dma source(%dma_start3A_71 : memref<782x128xi32, #tpu.memory_space<hbm>>) target(%arg11 : memref<32x128xi32, #tpu.memory_space<vmem>>) offsets(%arg10 : memref<32xi32, #tpu.memory_space<vmem>>) semaphore(%arg12 : memref<!tpu.dma_semaphore, #tpu.memory_space<semaphore_mem>>)
    %dma_wait3A_72 = arith.constant 0 : i32
    %dma_wait3A_73 = arith.constant 0 : i32
    %dma_wait3A_74 = tpu.memref_slice %arg4[%dma_wait3A_72, %dma_wait3A_73] : memref<782x128xi32, #tpu.memory_space<hbm>> -> memref<782x128xi32, #tpu.memory_space<hbm>>
    tpu.wait_indirect_dma semaphore(%arg12 : memref<!tpu.dma_semaphore, #tpu.memory_space<semaphore_mem>>) src(%dma_wait3A_74 : memref<782x128xi32, #tpu.memory_space<hbm>>) dst(%arg11 : memref<32x128xi32, #tpu.memory_space<vmem>>)
    "tpu.region"() ({
      %run_scoped3A = tpu.sem_alloc : memref<!tpu.dma_semaphore, #tpu.memory_space<semaphore_mem>>
      %dma_start3A_75 = arith.constant 0 : i32
      %dma_start3A_76 = tpu.memref_slice %arg7[%mul3A_68, %dma_start3A_75] : memref<1024x128xi32, #tpu.memory_space<hbm>> -> memref<32x128xi32, #tpu.memory_space<hbm>>
      %dma_start3A_77 = arith.constant 0 : i32
      %dma_start3A_78 = tpu.memref_slice %arg7[%mul3A_68, %dma_start3A_77] : memref<1024x128xi32, #tpu.memory_space<hbm>> -> memref<32x128xi32, #tpu.memory_space<hbm>>
      tpu.enqueue_dma source(%arg11 : memref<32x128xi32, #tpu.memory_space<vmem>>) target(%dma_start3A_78 : memref<32x128xi32, #tpu.memory_space<hbm>>) target_semaphore(%run_scoped3A : memref<!tpu.dma_semaphore, #tpu.memory_space<semaphore_mem>>)
      %dma_wait3A_79 = arith.constant 0 : i32
      %dma_wait3A_80 = tpu.memref_slice %arg7[%mul3A_68, %dma_wait3A_79] : memref<1024x128xi32, #tpu.memory_space<hbm>> -> memref<32x128xi32, #tpu.memory_space<hbm>>
      %dma_wait3A_81 = arith.constant 0 : i32
      %dma_wait3A_82 = tpu.memref_slice %arg7[%mul3A_68, %dma_wait3A_81] : memref<1024x128xi32, #tpu.memory_space<hbm>> -> memref<32x128xi32, #tpu.memory_space<hbm>>
      tpu.wait_dma2 semaphore(%run_scoped3A : memref<!tpu.dma_semaphore, #tpu.memory_space<semaphore_mem>>) src(%arg11 : memref<32x128xi32, #tpu.memory_space<vmem>>) dst(%dma_wait3A_82 : memref<32x128xi32, #tpu.memory_space<hbm>>)
      tpu.yield
    }) : () -> ()
    return
  }
}

module attributes {stable_mosaic.version = 14 : i64} {
  func.func @_heavy_body(%arg0: i32, %arg1: memref<1024x128xbf16, #tpu.memory_space<vmem>>, %arg2: memref<1x2048x128xbf16, #tpu.memory_space<vmem>>, %arg3: memref<1x1x2048xi32, #tpu.memory_space<vmem>>, %arg4: memref<1024x16x128xf32, #tpu.memory_space<vmem>>, %arg5: memref<1x1024x16xf32, #tpu.memory_space<vmem>>, %arg6: memref<768x128xf32, #tpu.memory_space<vmem>>, %arg7: memref<768x128xf32, #tpu.memory_space<vmem>>) attributes {dimension_semantics = [#tpu.dimension_semantics<arbitrary>], iteration_bounds = array<i64: 49>, scalar_prefetch = 0 : i64, scratch_operands = 0 : i64, tpu.core_type = #tpu.core_type<tc>, window_params = [{pipeline_mode = #tpu.pipeline_mode<synchronous>, transform_indices = @transform_0, window_bounds = array<i64: 1024, 128>}, {transform_indices = @transform_1, window_bounds = array<i64: 1, 2048, 128>}, {transform_indices = @transform_2, window_bounds = array<i64: 1, 1, 2048>}, {transform_indices = @transform_3, window_bounds = array<i64: 1024, 16, 128>}, {transform_indices = @transform_4, window_bounds = array<i64: 1, 1024, 16>}, {pipeline_mode = #tpu.pipeline_mode<synchronous>, transform_indices = @transform_5, window_bounds = array<i64: 768, 128>}, {pipeline_mode = #tpu.pipeline_mode<synchronous>, transform_indices = @transform_6, window_bounds = array<i64: 768, 128>}]} {
    %eq3A = arith.constant 0 : i32
    %eq3A_0 = arith.cmpi eq, %arg0, %eq3A : i32
    %convert_element_type3A = arith.extui %eq3A_0 : i1 to i32
    %cond3A = arith.constant 0 : i32
    %cond3A_1 = arith.cmpi ne, %convert_element_type3A, %cond3A : i32
    scf.if %cond3A_1 {
      %broadcast_in_dim3A_56 = arith.constant 0.000000e+00 : f32
      %broadcast_in_dim3A_57 = vector.broadcast %broadcast_in_dim3A_56 : f32 to vector<768x128xf32>
      %swap3A_58 = arith.constant 0 : index
      %swap3A_59 = arith.constant 0 : index
      %swap3A_60 = vector.load %arg6[%swap3A_58, %swap3A_59] : memref<768x128xf32, #tpu.memory_space<vmem>>, vector<768x128xf32>
      tpu.vector_store %arg6[%swap3A_58, %swap3A_59], %broadcast_in_dim3A_57 {strides = array<i32>} : memref<768x128xf32, #tpu.memory_space<vmem>>, vector<768x128xf32>,
      %broadcast_in_dim3A_61 = arith.constant 0.000000e+00 : f32
      %broadcast_in_dim3A_62 = vector.broadcast %broadcast_in_dim3A_61 : f32 to vector<768x128xf32>
      %swap3A_63 = arith.constant 0 : index
      %swap3A_64 = arith.constant 0 : index
      %swap3A_65 = vector.load %arg7[%swap3A_63, %swap3A_64] : memref<768x128xf32, #tpu.memory_space<vmem>>, vector<768x128xf32>
      tpu.vector_store %arg7[%swap3A_63, %swap3A_64], %broadcast_in_dim3A_62 {strides = array<i32>} : memref<768x128xf32, #tpu.memory_space<vmem>>, vector<768x128xf32>,
    } else {
    }
    %get3A = arith.constant 0 : index
    %get3A_2 = arith.constant 0 : index
    %get3A_3 = arith.constant 0 : index
    %get3A_4 = vector.load %arg2[%get3A, %get3A_2, %get3A_3] : memref<1x2048x128xbf16, #tpu.memory_space<vmem>>, vector<1x2048x128xbf16>
    %get3A_5 = vector.shape_cast %get3A_4 : vector<1x2048x128xbf16> to vector<2048x128xbf16>
    %get3A_6 = arith.constant 0 : index
    %get3A_7 = arith.constant 0 : index
    %get3A_8 = vector.load %arg1[%get3A_6, %get3A_7] : memref<1024x128xbf16, #tpu.memory_space<vmem>>, vector<1024x128xbf16>
    %dot_general3A = arith.constant dense<0.000000e+00> : vector<1024x2048xf32>
    %dot_general3A_9 = tpu.matmul %get3A_8, %get3A_5, %dot_general3A {dimension_numbers = #tpu.dot_dimension_numbers<[1], [1], [0], [0], [0, 0, 1, 0], [], []>, transpose_lhs_hint = false} : vector<1024x128xbf16>, vector<2048x128xbf16>, vector<1024x2048xf32> -> vector<1024x2048xf32>
    %mul3A = arith.constant 2048 : i32
    %mul3A_10 = arith.muli %arg0, %mul3A : i32
    %iota3A = tpu.iota {dimensions = array<i32: 1>} : vector<1024x2048xi32>
    %add3A = vector.broadcast %mul3A_10 : i32 to vector<1024x2048xi32>
    %add3A_11 = arith.addi %add3A, %iota3A : vector<1024x2048xi32>
    %lt3A = arith.constant 100000 : i32
    %lt3A_12 = vector.broadcast %lt3A : i32 to vector<1024x2048xi32>
    %lt3A_13 = arith.cmpi slt, %add3A_11, %lt3A_12 : vector<1024x2048xi32>
    %jit3A = arith.constant -1.000000e+30 : f32
    %broadcast_in_dim3A = vector.broadcast %jit3A : f32 to vector<1024x2048xf32>
    %select_n3A = arith.select %lt3A_13, %dot_general3A_9, %broadcast_in_dim3A : vector<1024x2048xi1>, vector<1024x2048xf32>
    %reshape3A = vector.shape_cast %select_n3A : vector<1024x2048xf32> to vector<1024x16x128xf32>
    %swap3A = arith.constant 0 : index
    %swap3A_14 = arith.constant 0 : index
    %swap3A_15 = arith.constant 0 : index
    %swap3A_16 = vector.load %arg4[%swap3A, %swap3A_14, %swap3A_15] : memref<1024x16x128xf32, #tpu.memory_space<vmem>>, vector<1024x16x128xf32>
    tpu.vector_store %arg4[%swap3A, %swap3A_14, %swap3A_15], %reshape3A {strides = array<i32>} : memref<1024x16x128xf32, #tpu.memory_space<vmem>>, vector<1024x16x128xf32>,
    %reduce_max3A = arith.constant dense<0xFF800000> : vector<1024x16xf32>
    %reduce_max3A_17 = vector.multi_reduction <maximumf>, %reshape3A, %reduce_max3A [2] : vector<1024x16x128xf32> to vector<1024x16xf32>
    %reshape3A_18 = vector.shape_cast %reduce_max3A_17 : vector<1024x16xf32> to vector<1x1024x16xf32>
    %swap3A_19 = arith.constant 0 : index
    %swap3A_20 = arith.constant 0 : index
    %swap3A_21 = arith.constant 0 : index
    %swap3A_22 = vector.load %arg5[%swap3A_19, %swap3A_20, %swap3A_21] : memref<1x1024x16xf32, #tpu.memory_space<vmem>>, vector<1x1024x16xf32>
    tpu.vector_store %arg5[%swap3A_19, %swap3A_20, %swap3A_21], %reshape3A_18 {strides = array<i32>} : memref<1x1024x16xf32, #tpu.memory_space<vmem>>, vector<1x1024x16xf32>,
    %get3A_23 = arith.constant 0 : index
    %get3A_24 = arith.constant 0 : index
    %get3A_25 = arith.constant 0 : index
    %get3A_26 = vector.load %arg3[%get3A_23, %get3A_24, %get3A_25] : memref<1x1x2048xi32, #tpu.memory_space<vmem>>, vector<1x1x2048xi32>
    %get3A_27 = vector.shape_cast %get3A_26 : vector<1x1x2048xi32> to vector<1x2048xi32>
    %iota3A_28 = tpu.iota {dimensions = array<i32: 0>} : vector<768x2048xi32>
    %eq3A_29 = vector.broadcast %get3A_27 : vector<1x2048xi32> to vector<768x2048xi32>
    %eq3A_30 = arith.cmpi eq, %iota3A_28, %eq3A_29 : vector<768x2048xi32>
    %get3A_31 = arith.constant 0 : index
    %get3A_32 = arith.constant 0 : index
    %get3A_33 = vector.load %arg6[%get3A_31, %get3A_32] : memref<768x128xf32, #tpu.memory_space<vmem>>, vector<768x128xf32>
    %convert_element_type3A_34 = arith.extui %eq3A_30 : vector<768x2048xi1> to vector<768x2048xi32>
    %convert_element_type3A_35 = arith.sitofp %convert_element_type3A_34 : vector<768x2048xi32> to vector<768x2048xf32>
    %convert_element_type3A_36 = arith.truncf %convert_element_type3A_35 : vector<768x2048xf32> to vector<768x2048xbf16>
    %dot_general3A_37 = arith.constant dense<0.000000e+00> : vector<768x128xf32>
    %dot_general3A_38 = tpu.matmul %convert_element_type3A_36, %get3A_5, %dot_general3A_37 {dimension_numbers = #tpu.dot_dimension_numbers<[1], [0], [0], [1], [0, 0, 1, 1], [], []>, transpose_lhs_hint = false} : vector<768x2048xbf16>, vector<2048x128xbf16>, vector<768x128xf32> -> vector<768x128xf32>
    %add3A_39 = arith.addf %get3A_33, %dot_general3A_38 : vector<768x128xf32>
    %swap3A_40 = arith.constant 0 : index
    %swap3A_41 = arith.constant 0 : index
    %swap3A_42 = vector.load %arg6[%swap3A_40, %swap3A_41] : memref<768x128xf32, #tpu.memory_space<vmem>>, vector<768x128xf32>
    tpu.vector_store %arg6[%swap3A_40, %swap3A_41], %add3A_39 {strides = array<i32>} : memref<768x128xf32, #tpu.memory_space<vmem>>, vector<768x128xf32>,
    %get3A_43 = arith.constant 0 : index
    %get3A_44 = arith.constant 0 : index
    %get3A_45 = vector.load %arg7[%get3A_43, %get3A_44] : memref<768x128xf32, #tpu.memory_space<vmem>>, vector<768x128xf32>
    %convert_element_type3A_46 = arith.extui %eq3A_30 : vector<768x2048xi1> to vector<768x2048xi32>
    %convert_element_type3A_47 = arith.sitofp %convert_element_type3A_46 : vector<768x2048xi32> to vector<768x2048xf32>
    %reduce_sum3A = arith.constant dense<0.000000e+00> : vector<768xf32>
    %reduce_sum3A_48 = vector.multi_reduction <add>, %convert_element_type3A_47, %reduce_sum3A [1] : vector<768x2048xf32> to vector<768xf32>
    %broadcast_in_dim3A_49 = vector.shape_cast %reduce_sum3A_48 : vector<768xf32> to vector<768x1xf32>
    %broadcast_in_dim3A_50 = vector.shape_cast %broadcast_in_dim3A_49 : vector<768x1xf32> to vector<768x1xf32>
    %broadcast_in_dim3A_51 = vector.broadcast %broadcast_in_dim3A_50 : vector<768x1xf32> to vector<768x128xf32>
    %add3A_52 = arith.addf %get3A_45, %broadcast_in_dim3A_51 : vector<768x128xf32>
    %swap3A_53 = arith.constant 0 : index
    %swap3A_54 = arith.constant 0 : index
    %swap3A_55 = vector.load %arg7[%swap3A_53, %swap3A_54] : memref<768x128xf32, #tpu.memory_space<vmem>>, vector<768x128xf32>
    tpu.vector_store %arg7[%swap3A_53, %swap3A_54], %add3A_52 {strides = array<i32>} : memref<768x128xf32, #tpu.memory_space<vmem>>, vector<768x128xf32>,
    return
  }
  func.func @transform_0(%arg0: i32) -> (i32, i32) {
    %c0_i32 = arith.constant 0 : i32
    %c0_i32_0 = arith.constant 0 : i32
    %c0_i32_1 = arith.constant 0 : i32
    return %c0_i32, %c0_i32_0 : i32, i32
  }
  func.func @transform_1(%arg0: i32) -> (i32, i32, i32) {
    %c0_i32 = arith.constant 0 : i32
    %c0_i32_0 = arith.constant 0 : i32
    %c0_i32_1 = arith.constant 0 : i32
    return %arg0, %c0_i32, %c0_i32_0 : i32, i32, i32
  }
  func.func @transform_2(%arg0: i32) -> (i32, i32, i32) {
    %c0_i32 = arith.constant 0 : i32
    %c0_i32_0 = arith.constant 0 : i32
    %c0_i32_1 = arith.constant 0 : i32
    return %arg0, %c0_i32, %c0_i32_0 : i32, i32, i32
  }
  func.func @transform_3(%arg0: i32) -> (i32, i32, i32) {
    %c0_i32 = arith.constant 0 : i32
    %c0_i32_0 = arith.constant 0 : i32
    %c0_i32_1 = arith.constant 0 : i32
    return %c0_i32, %arg0, %c0_i32_0 : i32, i32, i32
  }
  func.func @transform_4(%arg0: i32) -> (i32, i32, i32) {
    %c0_i32 = arith.constant 0 : i32
    %c0_i32_0 = arith.constant 0 : i32
    %c0_i32_1 = arith.constant 0 : i32
    return %arg0, %c0_i32, %c0_i32_0 : i32, i32, i32
  }
  func.func @transform_5(%arg0: i32) -> (i32, i32) {
    %c0_i32 = arith.constant 0 : i32
    %c0_i32_0 = arith.constant 0 : i32
    %c0_i32_1 = arith.constant 0 : i32
    return %c0_i32, %c0_i32_0 : i32, i32
  }
  func.func @transform_6(%arg0: i32) -> (i32, i32) {
    %c0_i32 = arith.constant 0 : i32
    %c0_i32_0 = arith.constant 0 : i32
    %c0_i32_1 = arith.constant 0 : i32
    return %c0_i32, %c0_i32_0 : i32, i32
  }
}

module attributes {stable_mosaic.version = 14 : i64} {
  func.func @_select_body(%arg0: memref<1024x896xf32, #tpu.memory_space<vmem>>, %arg1: memref<1024x12xi32, #tpu.memory_space<vmem>>) attributes {dimension_semantics = [], scalar_prefetch = 0 : i64, scratch_operands = 0 : i64, tpu.core_type = #tpu.core_type<tc>} {
    %get3A = arith.constant 0 : index
    %get3A_0 = arith.constant 0 : index
    %get3A_1 = vector.load %arg0[%get3A, %get3A_0] : memref<1024x896xf32, #tpu.memory_space<vmem>>, vector<1024x896xf32>
    %iota3A = tpu.iota {dimensions = array<i32: 1>} : vector<1024x896xi32>
    %iota3A_2 = tpu.iota {dimensions = array<i32: 0>} : vector<1024x1xi32>
    %reduce_max3A = arith.constant dense<0xFF800000> : vector<1024xf32>
    %reduce_max3A_3 = vector.multi_reduction <maximumf>, %get3A_1, %reduce_max3A [1] : vector<1024x896xf32> to vector<1024xf32>
    %broadcast_in_dim3A = vector.shape_cast %reduce_max3A_3 : vector<1024xf32> to vector<1024x1xf32>
    %eq3A = vector.broadcast %broadcast_in_dim3A : vector<1024x1xf32> to vector<1024x896xf32>
    %eq3A_4 = arith.cmpf oeq, %get3A_1, %eq3A : vector<1024x896xf32>
    %jit3A = arith.constant 1073741824 : i32
    %broadcast_in_dim3A_5 = vector.broadcast %jit3A : i32 to vector<1024x896xi32>
    %select_n3A = arith.select %eq3A_4, %iota3A, %broadcast_in_dim3A_5 : vector<1024x896xi1>, vector<1024x896xi32>
    %reduce_min3A = arith.constant dense<2147483647> : vector<1024xi32>
    %reduce_min3A_6 = vector.multi_reduction <minsi>, %select_n3A, %reduce_min3A [1] : vector<1024x896xi32> to vector<1024xi32>
    %broadcast_in_dim3A_7 = vector.shape_cast %reduce_min3A_6 : vector<1024xi32> to vector<1024x1xi32>
    %mul3A = arith.constant 784 : i32
    %mul3A_8 = vector.broadcast %mul3A : i32 to vector<1024x1xi32>
    %mul3A_9 = arith.muli %iota3A_2, %mul3A_8 : vector<1024x1xi32>
    %add3A = arith.addi %mul3A_9, %broadcast_in_dim3A_7 : vector<1024x1xi32>
    %swap3A = arith.constant 0 : index
    %swap3A_10 = arith.constant 0 : index
    %swap3A_11 = vector.load %arg1[%swap3A, %swap3A_10] : memref<1024x12xi32, #tpu.memory_space<vmem>>, vector<1024x1xi32>
    tpu.vector_store %arg1[%swap3A, %swap3A_10], %add3A {strides = array<i32>} : memref<1024x12xi32, #tpu.memory_space<vmem>>, vector<1024x1xi32>,
    %eq3A_12 = vector.broadcast %broadcast_in_dim3A_7 : vector<1024x1xi32> to vector<1024x896xi32>
    %eq3A_13 = arith.cmpi eq, %iota3A, %eq3A_12 : vector<1024x896xi32>
    %jit3A_14 = arith.constant -1.000000e+30 : f32
    %broadcast_in_dim3A_15 = vector.broadcast %jit3A_14 : f32 to vector<1024x896xf32>
    %select_n3A_16 = arith.select %eq3A_13, %broadcast_in_dim3A_15, %get3A_1 : vector<1024x896xi1>, vector<1024x896xf32>
    %reduce_max3A_17 = arith.constant dense<0xFF800000> : vector<1024xf32>
    %reduce_max3A_18 = vector.multi_reduction <maximumf>, %select_n3A_16, %reduce_max3A_17 [1] : vector<1024x896xf32> to vector<1024xf32>
    %broadcast_in_dim3A_19 = vector.shape_cast %reduce_max3A_18 : vector<1024xf32> to vector<1024x1xf32>
    %eq3A_20 = vector.broadcast %broadcast_in_dim3A_19 : vector<1024x1xf32> to vector<1024x896xf32>
    %eq3A_21 = arith.cmpf oeq, %select_n3A_16, %eq3A_20 : vector<1024x896xf32>
    %jit3A_22 = arith.constant 1073741824 : i32
    %broadcast_in_dim3A_23 = vector.broadcast %jit3A_22 : i32 to vector<1024x896xi32>
    %select_n3A_24 = arith.select %eq3A_21, %iota3A, %broadcast_in_dim3A_23 : vector<1024x896xi1>, vector<1024x896xi32>
    %reduce_min3A_25 = arith.constant dense<2147483647> : vector<1024xi32>
    %reduce_min3A_26 = vector.multi_reduction <minsi>, %select_n3A_24, %reduce_min3A_25 [1] : vector<1024x896xi32> to vector<1024xi32>
    %broadcast_in_dim3A_27 = vector.shape_cast %reduce_min3A_26 : vector<1024xi32> to vector<1024x1xi32>
    %mul3A_28 = arith.constant 784 : i32
    %mul3A_29 = vector.broadcast %mul3A_28 : i32 to vector<1024x1xi32>
    %mul3A_30 = arith.muli %iota3A_2, %mul3A_29 : vector<1024x1xi32>
    %add3A_31 = arith.addi %mul3A_30, %broadcast_in_dim3A_27 : vector<1024x1xi32>
    %swap3A_32 = arith.constant 0 : index
    %swap3A_33 = arith.constant 1 : index
    %swap3A_34 = vector.load %arg1[%swap3A_32, %swap3A_33] : memref<1024x12xi32, #tpu.memory_space<vmem>>, vector<1024x1xi32>
    tpu.vector_store %arg1[%swap3A_32, %swap3A_33], %add3A_31 {strides = array<i32>} : memref<1024x12xi32, #tpu.memory_space<vmem>>, vector<1024x1xi32>,
    %eq3A_35 = vector.broadcast %broadcast_in_dim3A_27 : vector<1024x1xi32> to vector<1024x896xi32>
    %eq3A_36 = arith.cmpi eq, %iota3A, %eq3A_35 : vector<1024x896xi32>
    %jit3A_37 = arith.constant -1.000000e+30 : f32
    %broadcast_in_dim3A_38 = vector.broadcast %jit3A_37 : f32 to vector<1024x896xf32>
    %select_n3A_39 = arith.select %eq3A_36, %broadcast_in_dim3A_38, %select_n3A_16 : vector<1024x896xi1>, vector<1024x896xf32>
    %reduce_max3A_40 = arith.constant dense<0xFF800000> : vector<1024xf32>
    %reduce_max3A_41 = vector.multi_reduction <maximumf>, %select_n3A_39, %reduce_max3A_40 [1] : vector<1024x896xf32> to vector<1024xf32>
    %broadcast_in_dim3A_42 = vector.shape_cast %reduce_max3A_41 : vector<1024xf32> to vector<1024x1xf32>
    %eq3A_43 = vector.broadcast %broadcast_in_dim3A_42 : vector<1024x1xf32> to vector<1024x896xf32>
    %eq3A_44 = arith.cmpf oeq, %select_n3A_39, %eq3A_43 : vector<1024x896xf32>
    %jit3A_45 = arith.constant 1073741824 : i32
    %broadcast_in_dim3A_46 = vector.broadcast %jit3A_45 : i32 to vector<1024x896xi32>
    %select_n3A_47 = arith.select %eq3A_44, %iota3A, %broadcast_in_dim3A_46 : vector<1024x896xi1>, vector<1024x896xi32>
    %reduce_min3A_48 = arith.constant dense<2147483647> : vector<1024xi32>
    %reduce_min3A_49 = vector.multi_reduction <minsi>, %select_n3A_47, %reduce_min3A_48 [1] : vector<1024x896xi32> to vector<1024xi32>
    %broadcast_in_dim3A_50 = vector.shape_cast %reduce_min3A_49 : vector<1024xi32> to vector<1024x1xi32>
    %mul3A_51 = arith.constant 784 : i32
    %mul3A_52 = vector.broadcast %mul3A_51 : i32 to vector<1024x1xi32>
    %mul3A_53 = arith.muli %iota3A_2, %mul3A_52 : vector<1024x1xi32>
    %add3A_54 = arith.addi %mul3A_53, %broadcast_in_dim3A_50 : vector<1024x1xi32>
    %swap3A_55 = arith.constant 0 : index
    %swap3A_56 = arith.constant 2 : index
    %swap3A_57 = vector.load %arg1[%swap3A_55, %swap3A_56] : memref<1024x12xi32, #tpu.memory_space<vmem>>, vector<1024x1xi32>
    tpu.vector_store %arg1[%swap3A_55, %swap3A_56], %add3A_54 {strides = array<i32>} : memref<1024x12xi32, #tpu.memory_space<vmem>>, vector<1024x1xi32>,
    %eq3A_58 = vector.broadcast %broadcast_in_dim3A_50 : vector<1024x1xi32> to vector<1024x896xi32>
    %eq3A_59 = arith.cmpi eq, %iota3A, %eq3A_58 : vector<1024x896xi32>
    %jit3A_60 = arith.constant -1.000000e+30 : f32
    %broadcast_in_dim3A_61 = vector.broadcast %jit3A_60 : f32 to vector<1024x896xf32>
    %select_n3A_62 = arith.select %eq3A_59, %broadcast_in_dim3A_61, %select_n3A_39 : vector<1024x896xi1>, vector<1024x896xf32>
    %reduce_max3A_63 = arith.constant dense<0xFF800000> : vector<1024xf32>
    %reduce_max3A_64 = vector.multi_reduction <maximumf>, %select_n3A_62, %reduce_max3A_63 [1] : vector<1024x896xf32> to vector<1024xf32>
    %broadcast_in_dim3A_65 = vector.shape_cast %reduce_max3A_64 : vector<1024xf32> to vector<1024x1xf32>
    %eq3A_66 = vector.broadcast %broadcast_in_dim3A_65 : vector<1024x1xf32> to vector<1024x896xf32>
    %eq3A_67 = arith.cmpf oeq, %select_n3A_62, %eq3A_66 : vector<1024x896xf32>
    %jit3A_68 = arith.constant 1073741824 : i32
    %broadcast_in_dim3A_69 = vector.broadcast %jit3A_68 : i32 to vector<1024x896xi32>
    %select_n3A_70 = arith.select %eq3A_67, %iota3A, %broadcast_in_dim3A_69 : vector<1024x896xi1>, vector<1024x896xi32>
    %reduce_min3A_71 = arith.constant dense<2147483647> : vector<1024xi32>
    %reduce_min3A_72 = vector.multi_reduction <minsi>, %select_n3A_70, %reduce_min3A_71 [1] : vector<1024x896xi32> to vector<1024xi32>
    %broadcast_in_dim3A_73 = vector.shape_cast %reduce_min3A_72 : vector<1024xi32> to vector<1024x1xi32>
    %mul3A_74 = arith.constant 784 : i32
    %mul3A_75 = vector.broadcast %mul3A_74 : i32 to vector<1024x1xi32>
    %mul3A_76 = arith.muli %iota3A_2, %mul3A_75 : vector<1024x1xi32>
    %add3A_77 = arith.addi %mul3A_76, %broadcast_in_dim3A_73 : vector<1024x1xi32>
    %swap3A_78 = arith.constant 0 : index
    %swap3A_79 = arith.constant 3 : index
    %swap3A_80 = vector.load %arg1[%swap3A_78, %swap3A_79] : memref<1024x12xi32, #tpu.memory_space<vmem>>, vector<1024x1xi32>
    tpu.vector_store %arg1[%swap3A_78, %swap3A_79], %add3A_77 {strides = array<i32>} : memref<1024x12xi32, #tpu.memory_space<vmem>>, vector<1024x1xi32>,
    %eq3A_81 = vector.broadcast %broadcast_in_dim3A_73 : vector<1024x1xi32> to vector<1024x896xi32>
    %eq3A_82 = arith.cmpi eq, %iota3A, %eq3A_81 : vector<1024x896xi32>
    %jit3A_83 = arith.constant -1.000000e+30 : f32
    %broadcast_in_dim3A_84 = vector.broadcast %jit3A_83 : f32 to vector<1024x896xf32>
    %select_n3A_85 = arith.select %eq3A_82, %broadcast_in_dim3A_84, %select_n3A_62 : vector<1024x896xi1>, vector<1024x896xf32>
    %reduce_max3A_86 = arith.constant dense<0xFF800000> : vector<1024xf32>
    %reduce_max3A_87 = vector.multi_reduction <maximumf>, %select_n3A_85, %reduce_max3A_86 [1] : vector<1024x896xf32> to vector<1024xf32>
    %broadcast_in_dim3A_88 = vector.shape_cast %reduce_max3A_87 : vector<1024xf32> to vector<1024x1xf32>
    %eq3A_89 = vector.broadcast %broadcast_in_dim3A_88 : vector<1024x1xf32> to vector<1024x896xf32>
    %eq3A_90 = arith.cmpf oeq, %select_n3A_85, %eq3A_89 : vector<1024x896xf32>
    %jit3A_91 = arith.constant 1073741824 : i32
    %broadcast_in_dim3A_92 = vector.broadcast %jit3A_91 : i32 to vector<1024x896xi32>
    %select_n3A_93 = arith.select %eq3A_90, %iota3A, %broadcast_in_dim3A_92 : vector<1024x896xi1>, vector<1024x896xi32>
    %reduce_min3A_94 = arith.constant dense<2147483647> : vector<1024xi32>
    %reduce_min3A_95 = vector.multi_reduction <minsi>, %select_n3A_93, %reduce_min3A_94 [1] : vector<1024x896xi32> to vector<1024xi32>
    %broadcast_in_dim3A_96 = vector.shape_cast %reduce_min3A_95 : vector<1024xi32> to vector<1024x1xi32>
    %mul3A_97 = arith.constant 784 : i32
    %mul3A_98 = vector.broadcast %mul3A_97 : i32 to vector<1024x1xi32>
    %mul3A_99 = arith.muli %iota3A_2, %mul3A_98 : vector<1024x1xi32>
    %add3A_100 = arith.addi %mul3A_99, %broadcast_in_dim3A_96 : vector<1024x1xi32>
    %swap3A_101 = arith.constant 0 : index
    %swap3A_102 = arith.constant 4 : index
    %swap3A_103 = vector.load %arg1[%swap3A_101, %swap3A_102] : memref<1024x12xi32, #tpu.memory_space<vmem>>, vector<1024x1xi32>
    tpu.vector_store %arg1[%swap3A_101, %swap3A_102], %add3A_100 {strides = array<i32>} : memref<1024x12xi32, #tpu.memory_space<vmem>>, vector<1024x1xi32>,
    %eq3A_104 = vector.broadcast %broadcast_in_dim3A_96 : vector<1024x1xi32> to vector<1024x896xi32>
    %eq3A_105 = arith.cmpi eq, %iota3A, %eq3A_104 : vector<1024x896xi32>
    %jit3A_106 = arith.constant -1.000000e+30 : f32
    %broadcast_in_dim3A_107 = vector.broadcast %jit3A_106 : f32 to vector<1024x896xf32>
    %select_n3A_108 = arith.select %eq3A_105, %broadcast_in_dim3A_107, %select_n3A_85 : vector<1024x896xi1>, vector<1024x896xf32>
    %reduce_max3A_109 = arith.constant dense<0xFF800000> : vector<1024xf32>
    %reduce_max3A_110 = vector.multi_reduction <maximumf>, %select_n3A_108, %reduce_max3A_109 [1] : vector<1024x896xf32> to vector<1024xf32>
    %broadcast_in_dim3A_111 = vector.shape_cast %reduce_max3A_110 : vector<1024xf32> to vector<1024x1xf32>
    %eq3A_112 = vector.broadcast %broadcast_in_dim3A_111 : vector<1024x1xf32> to vector<1024x896xf32>
    %eq3A_113 = arith.cmpf oeq, %select_n3A_108, %eq3A_112 : vector<1024x896xf32>
    %jit3A_114 = arith.constant 1073741824 : i32
    %broadcast_in_dim3A_115 = vector.broadcast %jit3A_114 : i32 to vector<1024x896xi32>
    %select_n3A_116 = arith.select %eq3A_113, %iota3A, %broadcast_in_dim3A_115 : vector<1024x896xi1>, vector<1024x896xi32>
    %reduce_min3A_117 = arith.constant dense<2147483647> : vector<1024xi32>
    %reduce_min3A_118 = vector.multi_reduction <minsi>, %select_n3A_116, %reduce_min3A_117 [1] : vector<1024x896xi32> to vector<1024xi32>
    %broadcast_in_dim3A_119 = vector.shape_cast %reduce_min3A_118 : vector<1024xi32> to vector<1024x1xi32>
    %mul3A_120 = arith.constant 784 : i32
    %mul3A_121 = vector.broadcast %mul3A_120 : i32 to vector<1024x1xi32>
    %mul3A_122 = arith.muli %iota3A_2, %mul3A_121 : vector<1024x1xi32>
    %add3A_123 = arith.addi %mul3A_122, %broadcast_in_dim3A_119 : vector<1024x1xi32>
    %swap3A_124 = arith.constant 0 : index
    %swap3A_125 = arith.constant 5 : index
    %swap3A_126 = vector.load %arg1[%swap3A_124, %swap3A_125] : memref<1024x12xi32, #tpu.memory_space<vmem>>, vector<1024x1xi32>
    tpu.vector_store %arg1[%swap3A_124, %swap3A_125], %add3A_123 {strides = array<i32>} : memref<1024x12xi32, #tpu.memory_space<vmem>>, vector<1024x1xi32>,
    %eq3A_127 = vector.broadcast %broadcast_in_dim3A_119 : vector<1024x1xi32> to vector<1024x896xi32>
    %eq3A_128 = arith.cmpi eq, %iota3A, %eq3A_127 : vector<1024x896xi32>
    %jit3A_129 = arith.constant -1.000000e+30 : f32
    %broadcast_in_dim3A_130 = vector.broadcast %jit3A_129 : f32 to vector<1024x896xf32>
    %select_n3A_131 = arith.select %eq3A_128, %broadcast_in_dim3A_130, %select_n3A_108 : vector<1024x896xi1>, vector<1024x896xf32>
    %reduce_max3A_132 = arith.constant dense<0xFF800000> : vector<1024xf32>
    %reduce_max3A_133 = vector.multi_reduction <maximumf>, %select_n3A_131, %reduce_max3A_132 [1] : vector<1024x896xf32> to vector<1024xf32>
    %broadcast_in_dim3A_134 = vector.shape_cast %reduce_max3A_133 : vector<1024xf32> to vector<1024x1xf32>
    %eq3A_135 = vector.broadcast %broadcast_in_dim3A_134 : vector<1024x1xf32> to vector<1024x896xf32>
    %eq3A_136 = arith.cmpf oeq, %select_n3A_131, %eq3A_135 : vector<1024x896xf32>
    %jit3A_137 = arith.constant 1073741824 : i32
    %broadcast_in_dim3A_138 = vector.broadcast %jit3A_137 : i32 to vector<1024x896xi32>
    %select_n3A_139 = arith.select %eq3A_136, %iota3A, %broadcast_in_dim3A_138 : vector<1024x896xi1>, vector<1024x896xi32>
    %reduce_min3A_140 = arith.constant dense<2147483647> : vector<1024xi32>
    %reduce_min3A_141 = vector.multi_reduction <minsi>, %select_n3A_139, %reduce_min3A_140 [1] : vector<1024x896xi32> to vector<1024xi32>
    %broadcast_in_dim3A_142 = vector.shape_cast %reduce_min3A_141 : vector<1024xi32> to vector<1024x1xi32>
    %mul3A_143 = arith.constant 784 : i32
    %mul3A_144 = vector.broadcast %mul3A_143 : i32 to vector<1024x1xi32>
    %mul3A_145 = arith.muli %iota3A_2, %mul3A_144 : vector<1024x1xi32>
    %add3A_146 = arith.addi %mul3A_145, %broadcast_in_dim3A_142 : vector<1024x1xi32>
    %swap3A_147 = arith.constant 0 : index
    %swap3A_148 = arith.constant 6 : index
    %swap3A_149 = vector.load %arg1[%swap3A_147, %swap3A_148] : memref<1024x12xi32, #tpu.memory_space<vmem>>, vector<1024x1xi32>
    tpu.vector_store %arg1[%swap3A_147, %swap3A_148], %add3A_146 {strides = array<i32>} : memref<1024x12xi32, #tpu.memory_space<vmem>>, vector<1024x1xi32>,
    %eq3A_150 = vector.broadcast %broadcast_in_dim3A_142 : vector<1024x1xi32> to vector<1024x896xi32>
    %eq3A_151 = arith.cmpi eq, %iota3A, %eq3A_150 : vector<1024x896xi32>
    %jit3A_152 = arith.constant -1.000000e+30 : f32
    %broadcast_in_dim3A_153 = vector.broadcast %jit3A_152 : f32 to vector<1024x896xf32>
    %select_n3A_154 = arith.select %eq3A_151, %broadcast_in_dim3A_153, %select_n3A_131 : vector<1024x896xi1>, vector<1024x896xf32>
    %reduce_max3A_155 = arith.constant dense<0xFF800000> : vector<1024xf32>
    %reduce_max3A_156 = vector.multi_reduction <maximumf>, %select_n3A_154, %reduce_max3A_155 [1] : vector<1024x896xf32> to vector<1024xf32>
    %broadcast_in_dim3A_157 = vector.shape_cast %reduce_max3A_156 : vector<1024xf32> to vector<1024x1xf32>
    %eq3A_158 = vector.broadcast %broadcast_in_dim3A_157 : vector<1024x1xf32> to vector<1024x896xf32>
    %eq3A_159 = arith.cmpf oeq, %select_n3A_154, %eq3A_158 : vector<1024x896xf32>
    %jit3A_160 = arith.constant 1073741824 : i32
    %broadcast_in_dim3A_161 = vector.broadcast %jit3A_160 : i32 to vector<1024x896xi32>
    %select_n3A_162 = arith.select %eq3A_159, %iota3A, %broadcast_in_dim3A_161 : vector<1024x896xi1>, vector<1024x896xi32>
    %reduce_min3A_163 = arith.constant dense<2147483647> : vector<1024xi32>
    %reduce_min3A_164 = vector.multi_reduction <minsi>, %select_n3A_162, %reduce_min3A_163 [1] : vector<1024x896xi32> to vector<1024xi32>
    %broadcast_in_dim3A_165 = vector.shape_cast %reduce_min3A_164 : vector<1024xi32> to vector<1024x1xi32>
    %mul3A_166 = arith.constant 784 : i32
    %mul3A_167 = vector.broadcast %mul3A_166 : i32 to vector<1024x1xi32>
    %mul3A_168 = arith.muli %iota3A_2, %mul3A_167 : vector<1024x1xi32>
    %add3A_169 = arith.addi %mul3A_168, %broadcast_in_dim3A_165 : vector<1024x1xi32>
    %swap3A_170 = arith.constant 0 : index
    %swap3A_171 = arith.constant 7 : index
    %swap3A_172 = vector.load %arg1[%swap3A_170, %swap3A_171] : memref<1024x12xi32, #tpu.memory_space<vmem>>, vector<1024x1xi32>
    tpu.vector_store %arg1[%swap3A_170, %swap3A_171], %add3A_169 {strides = array<i32>} : memref<1024x12xi32, #tpu.memory_space<vmem>>, vector<1024x1xi32>,
    %eq3A_173 = vector.broadcast %broadcast_in_dim3A_165 : vector<1024x1xi32> to vector<1024x896xi32>
    %eq3A_174 = arith.cmpi eq, %iota3A, %eq3A_173 : vector<1024x896xi32>
    %jit3A_175 = arith.constant -1.000000e+30 : f32
    %broadcast_in_dim3A_176 = vector.broadcast %jit3A_175 : f32 to vector<1024x896xf32>
    %select_n3A_177 = arith.select %eq3A_174, %broadcast_in_dim3A_176, %select_n3A_154 : vector<1024x896xi1>, vector<1024x896xf32>
    %reduce_max3A_178 = arith.constant dense<0xFF800000> : vector<1024xf32>
    %reduce_max3A_179 = vector.multi_reduction <maximumf>, %select_n3A_177, %reduce_max3A_178 [1] : vector<1024x896xf32> to vector<1024xf32>
    %broadcast_in_dim3A_180 = vector.shape_cast %reduce_max3A_179 : vector<1024xf32> to vector<1024x1xf32>
    %eq3A_181 = vector.broadcast %broadcast_in_dim3A_180 : vector<1024x1xf32> to vector<1024x896xf32>
    %eq3A_182 = arith.cmpf oeq, %select_n3A_177, %eq3A_181 : vector<1024x896xf32>
    %jit3A_183 = arith.constant 1073741824 : i32
    %broadcast_in_dim3A_184 = vector.broadcast %jit3A_183 : i32 to vector<1024x896xi32>
    %select_n3A_185 = arith.select %eq3A_182, %iota3A, %broadcast_in_dim3A_184 : vector<1024x896xi1>, vector<1024x896xi32>
    %reduce_min3A_186 = arith.constant dense<2147483647> : vector<1024xi32>
    %reduce_min3A_187 = vector.multi_reduction <minsi>, %select_n3A_185, %reduce_min3A_186 [1] : vector<1024x896xi32> to vector<1024xi32>
    %broadcast_in_dim3A_188 = vector.shape_cast %reduce_min3A_187 : vector<1024xi32> to vector<1024x1xi32>
    %mul3A_189 = arith.constant 784 : i32
    %mul3A_190 = vector.broadcast %mul3A_189 : i32 to vector<1024x1xi32>
    %mul3A_191 = arith.muli %iota3A_2, %mul3A_190 : vector<1024x1xi32>
    %add3A_192 = arith.addi %mul3A_191, %broadcast_in_dim3A_188 : vector<1024x1xi32>
    %swap3A_193 = arith.constant 0 : index
    %swap3A_194 = arith.constant 8 : index
    %swap3A_195 = vector.load %arg1[%swap3A_193, %swap3A_194] : memref<1024x12xi32, #tpu.memory_space<vmem>>, vector<1024x1xi32>
    tpu.vector_store %arg1[%swap3A_193, %swap3A_194], %add3A_192 {strides = array<i32>} : memref<1024x12xi32, #tpu.memory_space<vmem>>, vector<1024x1xi32>,
    %eq3A_196 = vector.broadcast %broadcast_in_dim3A_188 : vector<1024x1xi32> to vector<1024x896xi32>
    %eq3A_197 = arith.cmpi eq, %iota3A, %eq3A_196 : vector<1024x896xi32>
    %jit3A_198 = arith.constant -1.000000e+30 : f32
    %broadcast_in_dim3A_199 = vector.broadcast %jit3A_198 : f32 to vector<1024x896xf32>
    %select_n3A_200 = arith.select %eq3A_197, %broadcast_in_dim3A_199, %select_n3A_177 : vector<1024x896xi1>, vector<1024x896xf32>
    %reduce_max3A_201 = arith.constant dense<0xFF800000> : vector<1024xf32>
    %reduce_max3A_202 = vector.multi_reduction <maximumf>, %select_n3A_200, %reduce_max3A_201 [1] : vector<1024x896xf32> to vector<1024xf32>
    %broadcast_in_dim3A_203 = vector.shape_cast %reduce_max3A_202 : vector<1024xf32> to vector<1024x1xf32>
    %eq3A_204 = vector.broadcast %broadcast_in_dim3A_203 : vector<1024x1xf32> to vector<1024x896xf32>
    %eq3A_205 = arith.cmpf oeq, %select_n3A_200, %eq3A_204 : vector<1024x896xf32>
    %jit3A_206 = arith.constant 1073741824 : i32
    %broadcast_in_dim3A_207 = vector.broadcast %jit3A_206 : i32 to vector<1024x896xi32>
    %select_n3A_208 = arith.select %eq3A_205, %iota3A, %broadcast_in_dim3A_207 : vector<1024x896xi1>, vector<1024x896xi32>
    %reduce_min3A_209 = arith.constant dense<2147483647> : vector<1024xi32>
    %reduce_min3A_210 = vector.multi_reduction <minsi>, %select_n3A_208, %reduce_min3A_209 [1] : vector<1024x896xi32> to vector<1024xi32>
    %broadcast_in_dim3A_211 = vector.shape_cast %reduce_min3A_210 : vector<1024xi32> to vector<1024x1xi32>
    %mul3A_212 = arith.constant 784 : i32
    %mul3A_213 = vector.broadcast %mul3A_212 : i32 to vector<1024x1xi32>
    %mul3A_214 = arith.muli %iota3A_2, %mul3A_213 : vector<1024x1xi32>
    %add3A_215 = arith.addi %mul3A_214, %broadcast_in_dim3A_211 : vector<1024x1xi32>
    %swap3A_216 = arith.constant 0 : index
    %swap3A_217 = arith.constant 9 : index
    %swap3A_218 = vector.load %arg1[%swap3A_216, %swap3A_217] : memref<1024x12xi32, #tpu.memory_space<vmem>>, vector<1024x1xi32>
    tpu.vector_store %arg1[%swap3A_216, %swap3A_217], %add3A_215 {strides = array<i32>} : memref<1024x12xi32, #tpu.memory_space<vmem>>, vector<1024x1xi32>,
    %eq3A_219 = vector.broadcast %broadcast_in_dim3A_211 : vector<1024x1xi32> to vector<1024x896xi32>
    %eq3A_220 = arith.cmpi eq, %iota3A, %eq3A_219 : vector<1024x896xi32>
    %jit3A_221 = arith.constant -1.000000e+30 : f32
    %broadcast_in_dim3A_222 = vector.broadcast %jit3A_221 : f32 to vector<1024x896xf32>
    %select_n3A_223 = arith.select %eq3A_220, %broadcast_in_dim3A_222, %select_n3A_200 : vector<1024x896xi1>, vector<1024x896xf32>
    %reduce_max3A_224 = arith.constant dense<0xFF800000> : vector<1024xf32>
    %reduce_max3A_225 = vector.multi_reduction <maximumf>, %select_n3A_223, %reduce_max3A_224 [1] : vector<1024x896xf32> to vector<1024xf32>
    %broadcast_in_dim3A_226 = vector.shape_cast %reduce_max3A_225 : vector<1024xf32> to vector<1024x1xf32>
    %eq3A_227 = vector.broadcast %broadcast_in_dim3A_226 : vector<1024x1xf32> to vector<1024x896xf32>
    %eq3A_228 = arith.cmpf oeq, %select_n3A_223, %eq3A_227 : vector<1024x896xf32>
    %jit3A_229 = arith.constant 1073741824 : i32
    %broadcast_in_dim3A_230 = vector.broadcast %jit3A_229 : i32 to vector<1024x896xi32>
    %select_n3A_231 = arith.select %eq3A_228, %iota3A, %broadcast_in_dim3A_230 : vector<1024x896xi1>, vector<1024x896xi32>
    %reduce_min3A_232 = arith.constant dense<2147483647> : vector<1024xi32>
    %reduce_min3A_233 = vector.multi_reduction <minsi>, %select_n3A_231, %reduce_min3A_232 [1] : vector<1024x896xi32> to vector<1024xi32>
    %broadcast_in_dim3A_234 = vector.shape_cast %reduce_min3A_233 : vector<1024xi32> to vector<1024x1xi32>
    %mul3A_235 = arith.constant 784 : i32
    %mul3A_236 = vector.broadcast %mul3A_235 : i32 to vector<1024x1xi32>
    %mul3A_237 = arith.muli %iota3A_2, %mul3A_236 : vector<1024x1xi32>
    %add3A_238 = arith.addi %mul3A_237, %broadcast_in_dim3A_234 : vector<1024x1xi32>
    %swap3A_239 = arith.constant 0 : index
    %swap3A_240 = arith.constant 10 : index
    %swap3A_241 = vector.load %arg1[%swap3A_239, %swap3A_240] : memref<1024x12xi32, #tpu.memory_space<vmem>>, vector<1024x1xi32>
    tpu.vector_store %arg1[%swap3A_239, %swap3A_240], %add3A_238 {strides = array<i32>} : memref<1024x12xi32, #tpu.memory_space<vmem>>, vector<1024x1xi32>,
    %eq3A_242 = vector.broadcast %broadcast_in_dim3A_234 : vector<1024x1xi32> to vector<1024x896xi32>
    %eq3A_243 = arith.cmpi eq, %iota3A, %eq3A_242 : vector<1024x896xi32>
    %jit3A_244 = arith.constant -1.000000e+30 : f32
    %broadcast_in_dim3A_245 = vector.broadcast %jit3A_244 : f32 to vector<1024x896xf32>
    %select_n3A_246 = arith.select %eq3A_243, %broadcast_in_dim3A_245, %select_n3A_223 : vector<1024x896xi1>, vector<1024x896xf32>
    %reduce_max3A_247 = arith.constant dense<0xFF800000> : vector<1024xf32>
    %reduce_max3A_248 = vector.multi_reduction <maximumf>, %select_n3A_246, %reduce_max3A_247 [1] : vector<1024x896xf32> to vector<1024xf32>
    %broadcast_in_dim3A_249 = vector.shape_cast %reduce_max3A_248 : vector<1024xf32> to vector<1024x1xf32>
    %eq3A_250 = vector.broadcast %broadcast_in_dim3A_249 : vector<1024x1xf32> to vector<1024x896xf32>
    %eq3A_251 = arith.cmpf oeq, %select_n3A_246, %eq3A_250 : vector<1024x896xf32>
    %jit3A_252 = arith.constant 1073741824 : i32
    %broadcast_in_dim3A_253 = vector.broadcast %jit3A_252 : i32 to vector<1024x896xi32>
    %select_n3A_254 = arith.select %eq3A_251, %iota3A, %broadcast_in_dim3A_253 : vector<1024x896xi1>, vector<1024x896xi32>
    %reduce_min3A_255 = arith.constant dense<2147483647> : vector<1024xi32>
    %reduce_min3A_256 = vector.multi_reduction <minsi>, %select_n3A_254, %reduce_min3A_255 [1] : vector<1024x896xi32> to vector<1024xi32>
    %broadcast_in_dim3A_257 = vector.shape_cast %reduce_min3A_256 : vector<1024xi32> to vector<1024x1xi32>
    %mul3A_258 = arith.constant 784 : i32
    %mul3A_259 = vector.broadcast %mul3A_258 : i32 to vector<1024x1xi32>
    %mul3A_260 = arith.muli %iota3A_2, %mul3A_259 : vector<1024x1xi32>
    %add3A_261 = arith.addi %mul3A_260, %broadcast_in_dim3A_257 : vector<1024x1xi32>
    %swap3A_262 = arith.constant 0 : index
    %swap3A_263 = arith.constant 11 : index
    %swap3A_264 = vector.load %arg1[%swap3A_262, %swap3A_263] : memref<1024x12xi32, #tpu.memory_space<vmem>>, vector<1024x1xi32>
    tpu.vector_store %arg1[%swap3A_262, %swap3A_263], %add3A_261 {strides = array<i32>} : memref<1024x12xi32, #tpu.memory_space<vmem>>, vector<1024x1xi32>,
    return
  }
}

module attributes {stable_mosaic.version = 14 : i64} {
  func.func @_final_body(%arg0: memref<1024x128xf32, #tpu.memory_space<vmem>>, %arg1: memref<1024x128xf32, #tpu.memory_space<vmem>>, %arg2: memref<1024x1536xf32, #tpu.memory_space<vmem>>, %arg3: memref<768x128xf32, #tpu.memory_space<vmem>>, %arg4: memref<768x128xf32, #tpu.memory_space<vmem>>, %arg5: memref<1024x128xi32, #tpu.memory_space<vmem>>, %arg6: memref<1024x1xi32, #tpu.memory_space<vmem>>, %arg7: memref<1x1xf32, #tpu.memory_space<vmem>>) attributes {dimension_semantics = [], scalar_prefetch = 0 : i64, scratch_operands = 0 : i64, tpu.core_type = #tpu.core_type<tc>} {
    %get3A = arith.constant 0 : index
    %get3A_0 = arith.constant 0 : index
    %get3A_1 = vector.load %arg2[%get3A, %get3A_0] : memref<1024x1536xf32, #tpu.memory_space<vmem>>, vector<1024x1536xf32>
    %iota3A = tpu.iota {dimensions = array<i32: 1>} : vector<1024x1536xi32>
    %broadcast_in_dim3A = arith.constant 0.000000e+00 : f32
    %broadcast_in_dim3A_2 = vector.broadcast %broadcast_in_dim3A : f32 to vector<1024x1xf32>
    %reduce_max3A = arith.constant dense<0xFF800000> : vector<1024xf32>
    %reduce_max3A_3 = vector.multi_reduction <maximumf>, %get3A_1, %reduce_max3A [1] : vector<1024x1536xf32> to vector<1024xf32>
    %broadcast_in_dim3A_4 = vector.shape_cast %reduce_max3A_3 : vector<1024xf32> to vector<1024x1xf32>
    %eq3A = vector.broadcast %broadcast_in_dim3A_4 : vector<1024x1xf32> to vector<1024x1536xf32>
    %eq3A_5 = arith.cmpf oeq, %get3A_1, %eq3A : vector<1024x1536xf32>
    %jit3A = arith.constant 1073741824 : i32
    %broadcast_in_dim3A_6 = vector.broadcast %jit3A : i32 to vector<1024x1536xi32>
    %select_n3A = arith.select %eq3A_5, %iota3A, %broadcast_in_dim3A_6 : vector<1024x1536xi1>, vector<1024x1536xi32>
    %reduce_min3A = arith.constant dense<2147483647> : vector<1024xi32>
    %reduce_min3A_7 = vector.multi_reduction <minsi>, %select_n3A, %reduce_min3A [1] : vector<1024x1536xi32> to vector<1024xi32>
    %broadcast_in_dim3A_8 = vector.shape_cast %reduce_min3A_7 : vector<1024xi32> to vector<1024x1xi32>
    %add3A = arith.addf %broadcast_in_dim3A_2, %broadcast_in_dim3A_4 : vector<1024x1xf32>
    %eq3A_9 = vector.broadcast %broadcast_in_dim3A_8 : vector<1024x1xi32> to vector<1024x1536xi32>
    %eq3A_10 = arith.cmpi eq, %iota3A, %eq3A_9 : vector<1024x1536xi32>
    %jit3A_11 = arith.constant -1.000000e+30 : f32
    %broadcast_in_dim3A_12 = vector.broadcast %jit3A_11 : f32 to vector<1024x1536xf32>
    %select_n3A_13 = arith.select %eq3A_10, %broadcast_in_dim3A_12, %get3A_1 : vector<1024x1536xi1>, vector<1024x1536xf32>
    %reduce_max3A_14 = arith.constant dense<0xFF800000> : vector<1024xf32>
    %reduce_max3A_15 = vector.multi_reduction <maximumf>, %select_n3A_13, %reduce_max3A_14 [1] : vector<1024x1536xf32> to vector<1024xf32>
    %broadcast_in_dim3A_16 = vector.shape_cast %reduce_max3A_15 : vector<1024xf32> to vector<1024x1xf32>
    %eq3A_17 = vector.broadcast %broadcast_in_dim3A_16 : vector<1024x1xf32> to vector<1024x1536xf32>
    %eq3A_18 = arith.cmpf oeq, %select_n3A_13, %eq3A_17 : vector<1024x1536xf32>
    %jit3A_19 = arith.constant 1073741824 : i32
    %broadcast_in_dim3A_20 = vector.broadcast %jit3A_19 : i32 to vector<1024x1536xi32>
    %select_n3A_21 = arith.select %eq3A_18, %iota3A, %broadcast_in_dim3A_20 : vector<1024x1536xi1>, vector<1024x1536xi32>
    %reduce_min3A_22 = arith.constant dense<2147483647> : vector<1024xi32>
    %reduce_min3A_23 = vector.multi_reduction <minsi>, %select_n3A_21, %reduce_min3A_22 [1] : vector<1024x1536xi32> to vector<1024xi32>
    %broadcast_in_dim3A_24 = vector.shape_cast %reduce_min3A_23 : vector<1024xi32> to vector<1024x1xi32>
    %add3A_25 = arith.addf %add3A, %broadcast_in_dim3A_16 : vector<1024x1xf32>
    %eq3A_26 = vector.broadcast %broadcast_in_dim3A_24 : vector<1024x1xi32> to vector<1024x1536xi32>
    %eq3A_27 = arith.cmpi eq, %iota3A, %eq3A_26 : vector<1024x1536xi32>
    %jit3A_28 = arith.constant -1.000000e+30 : f32
    %broadcast_in_dim3A_29 = vector.broadcast %jit3A_28 : f32 to vector<1024x1536xf32>
    %select_n3A_30 = arith.select %eq3A_27, %broadcast_in_dim3A_29, %select_n3A_13 : vector<1024x1536xi1>, vector<1024x1536xf32>
    %reduce_max3A_31 = arith.constant dense<0xFF800000> : vector<1024xf32>
    %reduce_max3A_32 = vector.multi_reduction <maximumf>, %select_n3A_30, %reduce_max3A_31 [1] : vector<1024x1536xf32> to vector<1024xf32>
    %broadcast_in_dim3A_33 = vector.shape_cast %reduce_max3A_32 : vector<1024xf32> to vector<1024x1xf32>
    %eq3A_34 = vector.broadcast %broadcast_in_dim3A_33 : vector<1024x1xf32> to vector<1024x1536xf32>
    %eq3A_35 = arith.cmpf oeq, %select_n3A_30, %eq3A_34 : vector<1024x1536xf32>
    %jit3A_36 = arith.constant 1073741824 : i32
    %broadcast_in_dim3A_37 = vector.broadcast %jit3A_36 : i32 to vector<1024x1536xi32>
    %select_n3A_38 = arith.select %eq3A_35, %iota3A, %broadcast_in_dim3A_37 : vector<1024x1536xi1>, vector<1024x1536xi32>
    %reduce_min3A_39 = arith.constant dense<2147483647> : vector<1024xi32>
    %reduce_min3A_40 = vector.multi_reduction <minsi>, %select_n3A_38, %reduce_min3A_39 [1] : vector<1024x1536xi32> to vector<1024xi32>
    %broadcast_in_dim3A_41 = vector.shape_cast %reduce_min3A_40 : vector<1024xi32> to vector<1024x1xi32>
    %add3A_42 = arith.addf %add3A_25, %broadcast_in_dim3A_33 : vector<1024x1xf32>
    %eq3A_43 = vector.broadcast %broadcast_in_dim3A_41 : vector<1024x1xi32> to vector<1024x1536xi32>
    %eq3A_44 = arith.cmpi eq, %iota3A, %eq3A_43 : vector<1024x1536xi32>
    %jit3A_45 = arith.constant -1.000000e+30 : f32
    %broadcast_in_dim3A_46 = vector.broadcast %jit3A_45 : f32 to vector<1024x1536xf32>
    %select_n3A_47 = arith.select %eq3A_44, %broadcast_in_dim3A_46, %select_n3A_30 : vector<1024x1536xi1>, vector<1024x1536xf32>
    %reduce_max3A_48 = arith.constant dense<0xFF800000> : vector<1024xf32>
    %reduce_max3A_49 = vector.multi_reduction <maximumf>, %select_n3A_47, %reduce_max3A_48 [1] : vector<1024x1536xf32> to vector<1024xf32>
    %broadcast_in_dim3A_50 = vector.shape_cast %reduce_max3A_49 : vector<1024xf32> to vector<1024x1xf32>
    %eq3A_51 = vector.broadcast %broadcast_in_dim3A_50 : vector<1024x1xf32> to vector<1024x1536xf32>
    %eq3A_52 = arith.cmpf oeq, %select_n3A_47, %eq3A_51 : vector<1024x1536xf32>
    %jit3A_53 = arith.constant 1073741824 : i32
    %broadcast_in_dim3A_54 = vector.broadcast %jit3A_53 : i32 to vector<1024x1536xi32>
    %select_n3A_55 = arith.select %eq3A_52, %iota3A, %broadcast_in_dim3A_54 : vector<1024x1536xi1>, vector<1024x1536xi32>
    %reduce_min3A_56 = arith.constant dense<2147483647> : vector<1024xi32>
    %reduce_min3A_57 = vector.multi_reduction <minsi>, %select_n3A_55, %reduce_min3A_56 [1] : vector<1024x1536xi32> to vector<1024xi32>
    %broadcast_in_dim3A_58 = vector.shape_cast %reduce_min3A_57 : vector<1024xi32> to vector<1024x1xi32>
    %add3A_59 = arith.addf %add3A_42, %broadcast_in_dim3A_50 : vector<1024x1xf32>
    %eq3A_60 = vector.broadcast %broadcast_in_dim3A_58 : vector<1024x1xi32> to vector<1024x1536xi32>
    %eq3A_61 = arith.cmpi eq, %iota3A, %eq3A_60 : vector<1024x1536xi32>
    %jit3A_62 = arith.constant -1.000000e+30 : f32
    %broadcast_in_dim3A_63 = vector.broadcast %jit3A_62 : f32 to vector<1024x1536xf32>
    %select_n3A_64 = arith.select %eq3A_61, %broadcast_in_dim3A_63, %select_n3A_47 : vector<1024x1536xi1>, vector<1024x1536xf32>
    %reduce_max3A_65 = arith.constant dense<0xFF800000> : vector<1024xf32>
    %reduce_max3A_66 = vector.multi_reduction <maximumf>, %select_n3A_64, %reduce_max3A_65 [1] : vector<1024x1536xf32> to vector<1024xf32>
    %broadcast_in_dim3A_67 = vector.shape_cast %reduce_max3A_66 : vector<1024xf32> to vector<1024x1xf32>
    %eq3A_68 = vector.broadcast %broadcast_in_dim3A_67 : vector<1024x1xf32> to vector<1024x1536xf32>
    %eq3A_69 = arith.cmpf oeq, %select_n3A_64, %eq3A_68 : vector<1024x1536xf32>
    %jit3A_70 = arith.constant 1073741824 : i32
    %broadcast_in_dim3A_71 = vector.broadcast %jit3A_70 : i32 to vector<1024x1536xi32>
    %select_n3A_72 = arith.select %eq3A_69, %iota3A, %broadcast_in_dim3A_71 : vector<1024x1536xi1>, vector<1024x1536xi32>
    %reduce_min3A_73 = arith.constant dense<2147483647> : vector<1024xi32>
    %reduce_min3A_74 = vector.multi_reduction <minsi>, %select_n3A_72, %reduce_min3A_73 [1] : vector<1024x1536xi32> to vector<1024xi32>
    %broadcast_in_dim3A_75 = vector.shape_cast %reduce_min3A_74 : vector<1024xi32> to vector<1024x1xi32>
    %add3A_76 = arith.addf %add3A_59, %broadcast_in_dim3A_67 : vector<1024x1xf32>
    %eq3A_77 = vector.broadcast %broadcast_in_dim3A_75 : vector<1024x1xi32> to vector<1024x1536xi32>
    %eq3A_78 = arith.cmpi eq, %iota3A, %eq3A_77 : vector<1024x1536xi32>
    %jit3A_79 = arith.constant -1.000000e+30 : f32
    %broadcast_in_dim3A_80 = vector.broadcast %jit3A_79 : f32 to vector<1024x1536xf32>
    %select_n3A_81 = arith.select %eq3A_78, %broadcast_in_dim3A_80, %select_n3A_64 : vector<1024x1536xi1>, vector<1024x1536xf32>
    %reduce_max3A_82 = arith.constant dense<0xFF800000> : vector<1024xf32>
    %reduce_max3A_83 = vector.multi_reduction <maximumf>, %select_n3A_81, %reduce_max3A_82 [1] : vector<1024x1536xf32> to vector<1024xf32>
    %broadcast_in_dim3A_84 = vector.shape_cast %reduce_max3A_83 : vector<1024xf32> to vector<1024x1xf32>
    %eq3A_85 = vector.broadcast %broadcast_in_dim3A_84 : vector<1024x1xf32> to vector<1024x1536xf32>
    %eq3A_86 = arith.cmpf oeq, %select_n3A_81, %eq3A_85 : vector<1024x1536xf32>
    %jit3A_87 = arith.constant 1073741824 : i32
    %broadcast_in_dim3A_88 = vector.broadcast %jit3A_87 : i32 to vector<1024x1536xi32>
    %select_n3A_89 = arith.select %eq3A_86, %iota3A, %broadcast_in_dim3A_88 : vector<1024x1536xi1>, vector<1024x1536xi32>
    %reduce_min3A_90 = arith.constant dense<2147483647> : vector<1024xi32>
    %reduce_min3A_91 = vector.multi_reduction <minsi>, %select_n3A_89, %reduce_min3A_90 [1] : vector<1024x1536xi32> to vector<1024xi32>
    %broadcast_in_dim3A_92 = vector.shape_cast %reduce_min3A_91 : vector<1024xi32> to vector<1024x1xi32>
    %add3A_93 = arith.addf %add3A_76, %broadcast_in_dim3A_84 : vector<1024x1xf32>
    %eq3A_94 = vector.broadcast %broadcast_in_dim3A_92 : vector<1024x1xi32> to vector<1024x1536xi32>
    %eq3A_95 = arith.cmpi eq, %iota3A, %eq3A_94 : vector<1024x1536xi32>
    %jit3A_96 = arith.constant -1.000000e+30 : f32
    %broadcast_in_dim3A_97 = vector.broadcast %jit3A_96 : f32 to vector<1024x1536xf32>
    %select_n3A_98 = arith.select %eq3A_95, %broadcast_in_dim3A_97, %select_n3A_81 : vector<1024x1536xi1>, vector<1024x1536xf32>
    %reduce_max3A_99 = arith.constant dense<0xFF800000> : vector<1024xf32>
    %reduce_max3A_100 = vector.multi_reduction <maximumf>, %select_n3A_98, %reduce_max3A_99 [1] : vector<1024x1536xf32> to vector<1024xf32>
    %broadcast_in_dim3A_101 = vector.shape_cast %reduce_max3A_100 : vector<1024xf32> to vector<1024x1xf32>
    %eq3A_102 = vector.broadcast %broadcast_in_dim3A_101 : vector<1024x1xf32> to vector<1024x1536xf32>
    %eq3A_103 = arith.cmpf oeq, %select_n3A_98, %eq3A_102 : vector<1024x1536xf32>
    %jit3A_104 = arith.constant 1073741824 : i32
    %broadcast_in_dim3A_105 = vector.broadcast %jit3A_104 : i32 to vector<1024x1536xi32>
    %select_n3A_106 = arith.select %eq3A_103, %iota3A, %broadcast_in_dim3A_105 : vector<1024x1536xi1>, vector<1024x1536xi32>
    %reduce_min3A_107 = arith.constant dense<2147483647> : vector<1024xi32>
    %reduce_min3A_108 = vector.multi_reduction <minsi>, %select_n3A_106, %reduce_min3A_107 [1] : vector<1024x1536xi32> to vector<1024xi32>
    %broadcast_in_dim3A_109 = vector.shape_cast %reduce_min3A_108 : vector<1024xi32> to vector<1024x1xi32>
    %add3A_110 = arith.addf %add3A_93, %broadcast_in_dim3A_101 : vector<1024x1xf32>
    %eq3A_111 = vector.broadcast %broadcast_in_dim3A_109 : vector<1024x1xi32> to vector<1024x1536xi32>
    %eq3A_112 = arith.cmpi eq, %iota3A, %eq3A_111 : vector<1024x1536xi32>
    %jit3A_113 = arith.constant -1.000000e+30 : f32
    %broadcast_in_dim3A_114 = vector.broadcast %jit3A_113 : f32 to vector<1024x1536xf32>
    %select_n3A_115 = arith.select %eq3A_112, %broadcast_in_dim3A_114, %select_n3A_98 : vector<1024x1536xi1>, vector<1024x1536xf32>
    %reduce_max3A_116 = arith.constant dense<0xFF800000> : vector<1024xf32>
    %reduce_max3A_117 = vector.multi_reduction <maximumf>, %select_n3A_115, %reduce_max3A_116 [1] : vector<1024x1536xf32> to vector<1024xf32>
    %broadcast_in_dim3A_118 = vector.shape_cast %reduce_max3A_117 : vector<1024xf32> to vector<1024x1xf32>
    %eq3A_119 = vector.broadcast %broadcast_in_dim3A_118 : vector<1024x1xf32> to vector<1024x1536xf32>
    %eq3A_120 = arith.cmpf oeq, %select_n3A_115, %eq3A_119 : vector<1024x1536xf32>
    %jit3A_121 = arith.constant 1073741824 : i32
    %broadcast_in_dim3A_122 = vector.broadcast %jit3A_121 : i32 to vector<1024x1536xi32>
    %select_n3A_123 = arith.select %eq3A_120, %iota3A, %broadcast_in_dim3A_122 : vector<1024x1536xi1>, vector<1024x1536xi32>
    %reduce_min3A_124 = arith.constant dense<2147483647> : vector<1024xi32>
    %reduce_min3A_125 = vector.multi_reduction <minsi>, %select_n3A_123, %reduce_min3A_124 [1] : vector<1024x1536xi32> to vector<1024xi32>
    %broadcast_in_dim3A_126 = vector.shape_cast %reduce_min3A_125 : vector<1024xi32> to vector<1024x1xi32>
    %add3A_127 = arith.addf %add3A_110, %broadcast_in_dim3A_118 : vector<1024x1xf32>
    %eq3A_128 = vector.broadcast %broadcast_in_dim3A_126 : vector<1024x1xi32> to vector<1024x1536xi32>
    %eq3A_129 = arith.cmpi eq, %iota3A, %eq3A_128 : vector<1024x1536xi32>
    %jit3A_130 = arith.constant -1.000000e+30 : f32
    %broadcast_in_dim3A_131 = vector.broadcast %jit3A_130 : f32 to vector<1024x1536xf32>
    %select_n3A_132 = arith.select %eq3A_129, %broadcast_in_dim3A_131, %select_n3A_115 : vector<1024x1536xi1>, vector<1024x1536xf32>
    %reduce_max3A_133 = arith.constant dense<0xFF800000> : vector<1024xf32>
    %reduce_max3A_134 = vector.multi_reduction <maximumf>, %select_n3A_132, %reduce_max3A_133 [1] : vector<1024x1536xf32> to vector<1024xf32>
    %broadcast_in_dim3A_135 = vector.shape_cast %reduce_max3A_134 : vector<1024xf32> to vector<1024x1xf32>
    %eq3A_136 = vector.broadcast %broadcast_in_dim3A_135 : vector<1024x1xf32> to vector<1024x1536xf32>
    %eq3A_137 = arith.cmpf oeq, %select_n3A_132, %eq3A_136 : vector<1024x1536xf32>
    %jit3A_138 = arith.constant 1073741824 : i32
    %broadcast_in_dim3A_139 = vector.broadcast %jit3A_138 : i32 to vector<1024x1536xi32>
    %select_n3A_140 = arith.select %eq3A_137, %iota3A, %broadcast_in_dim3A_139 : vector<1024x1536xi1>, vector<1024x1536xi32>
    %reduce_min3A_141 = arith.constant dense<2147483647> : vector<1024xi32>
    %reduce_min3A_142 = vector.multi_reduction <minsi>, %select_n3A_140, %reduce_min3A_141 [1] : vector<1024x1536xi32> to vector<1024xi32>
    %broadcast_in_dim3A_143 = vector.shape_cast %reduce_min3A_142 : vector<1024xi32> to vector<1024x1xi32>
    %add3A_144 = arith.addf %add3A_127, %broadcast_in_dim3A_135 : vector<1024x1xf32>
    %eq3A_145 = vector.broadcast %broadcast_in_dim3A_143 : vector<1024x1xi32> to vector<1024x1536xi32>
    %eq3A_146 = arith.cmpi eq, %iota3A, %eq3A_145 : vector<1024x1536xi32>
    %jit3A_147 = arith.constant -1.000000e+30 : f32
    %broadcast_in_dim3A_148 = vector.broadcast %jit3A_147 : f32 to vector<1024x1536xf32>
    %select_n3A_149 = arith.select %eq3A_146, %broadcast_in_dim3A_148, %select_n3A_132 : vector<1024x1536xi1>, vector<1024x1536xf32>
    %reduce_max3A_150 = arith.constant dense<0xFF800000> : vector<1024xf32>
    %reduce_max3A_151 = vector.multi_reduction <maximumf>, %select_n3A_149, %reduce_max3A_150 [1] : vector<1024x1536xf32> to vector<1024xf32>
    %broadcast_in_dim3A_152 = vector.shape_cast %reduce_max3A_151 : vector<1024xf32> to vector<1024x1xf32>
    %add3A_153 = arith.addf %add3A_144, %broadcast_in_dim3A_152 : vector<1024x1xf32>
    %get3A_154 = arith.constant 0 : index
    %get3A_155 = arith.constant 0 : index
    %get3A_156 = vector.load %arg0[%get3A_154, %get3A_155] : memref<1024x128xf32, #tpu.memory_space<vmem>>, vector<1024x128xf32>
    %get3A_157 = arith.constant 0 : index
    %get3A_158 = arith.constant 0 : index
    %get3A_159 = vector.load %arg1[%get3A_157, %get3A_158] : memref<1024x128xf32, #tpu.memory_space<vmem>>, vector<1024x128xf32>
    %mul3A = arith.mulf %get3A_156, %get3A_159 : vector<1024x128xf32>
    %reduce_sum3A = arith.constant dense<0.000000e+00> : vector<1024xf32>
    %reduce_sum3A_160 = vector.multi_reduction <add>, %mul3A, %reduce_sum3A [1] : vector<1024x128xf32> to vector<1024xf32>
    %broadcast_in_dim3A_161 = vector.shape_cast %reduce_sum3A_160 : vector<1024xf32> to vector<1024x1xf32>
    %add3A_162 = arith.addf %broadcast_in_dim3A_161, %add3A_153 : vector<1024x1xf32>
    %div3A = arith.constant 5.000000e-02 : f32
    %div3A_163 = vector.broadcast %div3A : f32 to vector<1024x1xf32>
    %div3A_164 = arith.divf %add3A_162, %div3A_163 : vector<1024x1xf32>
    %get3A_165 = arith.constant 0 : index
    %get3A_166 = arith.constant 0 : index
    %get3A_167 = vector.load %arg3[%get3A_165, %get3A_166] : memref<768x128xf32, #tpu.memory_space<vmem>>, vector<768x128xf32>
    %dot_general3A = arith.constant dense<0.000000e+00> : vector<1024x768xf32>
    %dot_general3A_168 = tpu.matmul %get3A_156, %get3A_167, %dot_general3A {dimension_numbers = #tpu.dot_dimension_numbers<[1], [1], [0], [0], [0, 0, 1, 0], [], []>, transpose_lhs_hint = false} : vector<1024x128xf32>, vector<768x128xf32>, vector<1024x768xf32> -> vector<1024x768xf32>
    %div3A_169 = arith.constant 5.000000e-02 : f32
    %div3A_170 = vector.broadcast %div3A_169 : f32 to vector<1024x768xf32>
    %div3A_171 = arith.divf %dot_general3A_168, %div3A_170 : vector<1024x768xf32>
    %iota3A_172 = tpu.iota {dimensions = array<i32: 0>} : vector<768x768xi32>
    %iota3A_173 = tpu.iota {dimensions = array<i32: 1>} : vector<768x768xi32>
    %eq3A_174 = arith.cmpi eq, %iota3A_172, %iota3A_173 : vector<768x768xi32>
    %convert_element_type3A = arith.extui %eq3A_174 : vector<768x768xi1> to vector<768x768xi32>
    %convert_element_type3A_175 = arith.sitofp %convert_element_type3A : vector<768x768xi32> to vector<768x768xf32>
    %get3A_176 = arith.constant 0 : index
    %get3A_177 = arith.constant 0 : index
    %get3A_178 = vector.load %arg4[%get3A_176, %get3A_177] : memref<768x128xf32, #tpu.memory_space<vmem>>, vector<768x1xf32>
    %dot_general3A_179 = arith.constant dense<0.000000e+00> : vector<1x768xf32>
    %dot_general3A_180 = tpu.matmul %get3A_178, %convert_element_type3A_175, %dot_general3A_179 {dimension_numbers = #tpu.dot_dimension_numbers<[0], [0], [1], [1], [0, 1, 1, 1], [], []>, transpose_lhs_hint = false} : vector<768x1xf32>, vector<768x768xf32>, vector<1x768xf32> -> vector<1x768xf32>
    %iota3A_181 = tpu.iota {dimensions = array<i32: 1>} : vector<1024x128xi32>
    %get3A_182 = arith.constant 0 : index
    %get3A_183 = arith.constant 0 : index
    %get3A_184 = vector.load %arg6[%get3A_182, %get3A_183] : memref<1024x1xi32, #tpu.memory_space<vmem>>, vector<1024x1xi32>
    %eq3A_185 = vector.broadcast %get3A_184 : vector<1024x1xi32> to vector<1024x128xi32>
    %eq3A_186 = arith.cmpi eq, %iota3A_181, %eq3A_185 : vector<1024x128xi32>
    %get3A_187 = arith.constant 0 : index
    %get3A_188 = arith.constant 0 : index
    %get3A_189 = vector.load %arg5[%get3A_187, %get3A_188] : memref<1024x128xi32, #tpu.memory_space<vmem>>, vector<1024x128xi32>
    %jit3A_190 = arith.constant 0 : i32
    %broadcast_in_dim3A_191 = vector.broadcast %jit3A_190 : i32 to vector<1024x128xi32>
    %select_n3A_192 = arith.select %eq3A_186, %get3A_189, %broadcast_in_dim3A_191 : vector<1024x128xi1>, vector<1024x128xi32>
    %reduce_sum3A_193 = arith.constant dense<0> : vector<1024xi32>
    %reduce_sum3A_194 = vector.multi_reduction <add>, %select_n3A_192, %reduce_sum3A_193 [1] : vector<1024x128xi32> to vector<1024xi32>
    %broadcast_in_dim3A_195 = vector.shape_cast %reduce_sum3A_194 : vector<1024xi32> to vector<1024x1xi32>
    %iota3A_196 = tpu.iota {dimensions = array<i32: 1>} : vector<1024x768xi32>
    %eq3A_197 = vector.broadcast %broadcast_in_dim3A_195 : vector<1024x1xi32> to vector<1024x768xi32>
    %eq3A_198 = arith.cmpi eq, %iota3A_196, %eq3A_197 : vector<1024x768xi32>
    %convert_element_type3A_199 = arith.extui %eq3A_198 : vector<1024x768xi1> to vector<1024x768xi32>
    %convert_element_type3A_200 = arith.sitofp %convert_element_type3A_199 : vector<1024x768xi32> to vector<1024x768xf32>
    %reduce_sum3A_201 = arith.constant dense<0.000000e+00> : vector<768xf32>
    %reduce_sum3A_202 = vector.multi_reduction <add>, %convert_element_type3A_200, %reduce_sum3A_201 [0] : vector<1024x768xf32> to vector<768xf32>
    %broadcast_in_dim3A_203 = vector.shape_cast %reduce_sum3A_202 : vector<768xf32> to vector<1x768xf32>
    %gt3A = arith.constant 0.000000e+00 : f32
    %gt3A_204 = vector.broadcast %gt3A : f32 to vector<1x768xf32>
    %gt3A_205 = arith.cmpf ogt, %broadcast_in_dim3A_203, %gt3A_204 : vector<1x768xf32>
    %jit3A_206 = arith.constant 1.100000e+01 : f32
    %jit3A_207 = arith.constant 0.000000e+00 : f32
    %broadcast_in_dim3A_208 = vector.broadcast %jit3A_206 : f32 to vector<1x768xf32>
    %broadcast_in_dim3A_209 = vector.broadcast %jit3A_207 : f32 to vector<1x768xf32>
    %select_n3A_210 = arith.select %gt3A_205, %broadcast_in_dim3A_208, %broadcast_in_dim3A_209 : vector<1x768xi1>, vector<1x768xf32>
    %add3A_211 = arith.addf %dot_general3A_180, %select_n3A_210 : vector<1x768xf32>
    %gt3A_212 = arith.constant 0.000000e+00 : f32
    %gt3A_213 = vector.broadcast %gt3A_212 : f32 to vector<1x768xf32>
    %gt3A_214 = arith.cmpf ogt, %add3A_211, %gt3A_213 : vector<1x768xf32>
    %convert_element_type3A_215 = arith.extui %gt3A_214 : vector<1x768xi1> to vector<1x768xi32>
    %convert_element_type3A_216 = arith.sitofp %convert_element_type3A_215 : vector<1x768xi32> to vector<1x768xf32>
    %mul3A_217 = arith.mulf %convert_element_type3A_216, %add3A_211 : vector<1x768xf32>
    %sub3A = arith.constant 1.000000e+00 : f32
    %sub3A_218 = vector.broadcast %sub3A : f32 to vector<1x768xf32>
    %sub3A_219 = arith.subf %sub3A_218, %convert_element_type3A_216 : vector<1x768xf32>
    %add3A_220 = arith.addf %mul3A_217, %sub3A_219 : vector<1x768xf32>
    %mul3A_221 = vector.broadcast %div3A_164 : vector<1024x1xf32> to vector<1024x768xf32>
    %mul3A_222 = arith.mulf %convert_element_type3A_200, %mul3A_221 : vector<1024x768xf32>
    %add3A_223 = arith.addf %div3A_171, %mul3A_222 : vector<1024x768xf32>
    %div3A_224 = vector.broadcast %add3A_220 : vector<1x768xf32> to vector<1024x768xf32>
    %div3A_225 = arith.divf %add3A_223, %div3A_224 : vector<1024x768xf32>
    %exp3A = math.exp %div3A_225 : vector<1024x768xf32>
    %mul3A_226 = vector.broadcast %convert_element_type3A_216 : vector<1x768xf32> to vector<1024x768xf32>
    %mul3A_227 = arith.mulf %exp3A, %mul3A_226 : vector<1024x768xf32>
    %reduce_sum3A_228 = arith.constant dense<0.000000e+00> : vector<1024xf32>
    %reduce_sum3A_229 = vector.multi_reduction <add>, %mul3A_227, %reduce_sum3A_228 [1] : vector<1024x768xf32> to vector<1024xf32>
    %broadcast_in_dim3A_230 = vector.shape_cast %reduce_sum3A_229 : vector<1024xf32> to vector<1024x1xf32>
    %add3A_231 = arith.constant 9.99999997E-7 : f32
    %add3A_232 = vector.broadcast %add3A_231 : f32 to vector<1024x1xf32>
    %add3A_233 = arith.addf %broadcast_in_dim3A_230, %add3A_232 : vector<1024x1xf32>
    %mul3A_234 = arith.mulf %convert_element_type3A_200, %mul3A_227 : vector<1024x768xf32>
    %reduce_sum3A_235 = arith.constant dense<0.000000e+00> : vector<1024xf32>
    %reduce_sum3A_236 = vector.multi_reduction <add>, %mul3A_234, %reduce_sum3A_235 [1] : vector<1024x768xf32> to vector<1024xf32>
    %broadcast_in_dim3A_237 = vector.shape_cast %reduce_sum3A_236 : vector<1024xf32> to vector<1024x1xf32>
    %div3A_238 = arith.divf %broadcast_in_dim3A_237, %add3A_233 : vector<1024x1xf32>
    %add3A_239 = arith.constant 9.99999997E-7 : f32
    %add3A_240 = vector.broadcast %add3A_239 : f32 to vector<1024x1xf32>
    %add3A_241 = arith.addf %div3A_238, %add3A_240 : vector<1024x1xf32>
    %log3A = math.log %add3A_241 : vector<1024x1xf32>
    %reduce_sum3A_242 = arith.constant dense<0.000000e+00> : vector<1xf32>
    %reduce_sum3A_243 = vector.multi_reduction <add>, %log3A, %reduce_sum3A_242 [0] : vector<1024x1xf32> to vector<1xf32>
    %broadcast_in_dim3A_244 = vector.shape_cast %reduce_sum3A_243 : vector<1xf32> to vector<1x1xf32>
    %neg3A = arith.constant 0.000000e+00 : f32
    %neg3A_245 = vector.broadcast %neg3A : f32 to vector<1x1xf32>
    %neg3A_246 = arith.subf %neg3A_245, %broadcast_in_dim3A_244 : vector<1x1xf32>
    %div3A_247 = arith.constant 1.024000e+03 : f32
    %div3A_248 = vector.broadcast %div3A_247 : f32 to vector<1x1xf32>
    %div3A_249 = arith.divf %neg3A_246, %div3A_248 : vector<1x1xf32>
    %swap3A = arith.constant 0 : index
    %swap3A_250 = arith.constant 0 : index
    %swap3A_251 = vector.load %arg7[%swap3A, %swap3A_250] : memref<1x1xf32, #tpu.memory_space<vmem>>, vector<1x1xf32>
    tpu.vector_store %arg7[%swap3A, %swap3A_250], %div3A_249 {strides = array<i32>} : memref<1x1xf32, #tpu.memory_space<vmem>>, vector<1x1xf32>,
    return
  }
}

</mosaic_0001>

<sc_bundles>
// kernel: kernel.6.cloned.1.call-start
scs
__scs_entry_jumppad:
0x0: {  	(pc) =	sbr.rel $0x88, $3  }
0x1: {  	(tag) =	ssettag $0x0;
	lr =	simm.s32 $0x1  }
0x2: {  	[smem:$0x3F9C] =	sst lr;
	_ =	strace $0xD0000000  }
0x3: {  	_ = 	snop  }
0x4: {  	_ = 	snop  }
0x5: {  	_ = 	snop  }
0x6: {  	_ = 	snop  }
0x7: {  	_ = 	snop  }
__scs_overlays_trampoline_lowered:
0x8: {  	[smem:$0x3FAB] =	sst s0  }
0x9: {  	[smem:$0x3FAC] =	sst s1  }
0xa: {  	[smem:$0x3FAD] =	sst s2  }
0xb: {  	[smem:$0x3FAE] =	sst s3  }
0xc: {  	[smem:$0x3FAF] =	sst s4  }
0xd: {  	[smem:$0x3FB0] =	sst s5  }
0xe: {  	[smem:$0x3FB1] =	sst s6  }
0xf: {  	[smem:$0x3FB2] =	sst s7  }
0x10: {  	[smem:$0x3FB3] =	sst s8  }
0x11: {  	[smem:$0x3FB4] =	sst s9;
	s0 =	simm.s32 @!p0 $0x0  }
0x12: {  	s1 =	sld [smem:$0x3F9A];
	s0 =	simm.s32 @p0 $0x1  }
0x13: {  	[smem:$0x3FB5] =	sst s0;
	s0 =	simm.s32 @!p1 $0x0  }
0x14: {  	s2 =	sld [smem:$0x3F99];
	s0 =	simm.s32 @p1 $0x1  }
0x15: {  	[smem:$0x3FB6] =	sst s0;
	s0 =	simm.s32 @!p2 $0x0  }
0x16: {  	s3 =	sld [smem:$0x3FDB];
	s0 =	simm.s32 @p2 $0x1  }
0x17: {  	s4 =	simm.s32 $0x1BF5;
	[smem:$0x3FB8] =	sst s0  }
0x18: {  	s0 =	sld [smem:$0x3F9B];
	_ =	swait.ge [sflag:s4], $0x0  }
0x19: {  	s7 =	sld [smem:$0x3F9C]  }
0x1a: {  	s8 =	sadd.s32 $0xFFFFE003, lr  }
0x1b: {  	s9 =	sadd.s32 $0xFFFFFEF7, lr;
	s5 =	simm.s32 $0xFFFFFFFF;
	p2 =	slt.u32 s8, $0xFFFFF086  }
0x1c: {  	p1 =	slt.u32 s9, $0xF7A;
	s5 =	simm.s32 @!p2 $0x0  }
0x1d: {  	s5 =	simm.s32 @p1 $0x1;
	p0 =	seq.s32 s7, s2  }
0x1e: {  	s7 =	smul.u32 @!p0 $0xF7A, s2;
	p2 =	seq.s32 @!p0 s5, $0x0  }
0x1f: {  	s9 =	smul.u32 $0xF7A, s1;
	s8 =	simm.s32 @!p0 $0x1BF5;
	p2 =	por !p2, p0  }
0x20: {  	[sflag:s8] =	ssyncset.s32 @!p0 $0xFFFFF086;
	s6 =	sadd.s32 @!p0 s3, s7;
	s7 =	simm.s32 @!p0 $0x108  }
0x21: {  	s3 =	sadd.s32 s3, s9;
	s6 =	sadd.s32 @!p0 $0x88, s6;
	s7 =	simm.s32 @p2 $0x1082  }
0x22: {  	[simem:s7], [sflag:s8] =	dma.local @!p0 [hbm:s6], $0xF7A  }
0x23: {  	s9 =	sor.u32 $0xD0000000, s2;
	s6 =	simm.s32 $0x108;
	_ =	swait.ge @!p0 [sflag:s8], $0x0  }
0x24: {  	s3 =	sadd.s32 $0x88, s3;
	s6 =	simm.s32 @!p1 $0x1082;
	[sflag:s4] =	ssyncset.s32 $0xFFFFF086  }
0x25: {  	[simem:s6], [sflag:s4] =	dma.local [hbm:s3], $0xF7A  }
0x26: {  	[smem:$0x3F9C] =	sst s1;
	(tag) =	ssettag s2;
	_ =	strace s9  }
0x27: {  	s1 =	sld [smem:$0x3FAC]  }
0x28: {  	s2 =	sld [smem:$0x3FAD]  }
0x29: {  	s4 =	sld [smem:$0x3FAF]  }
0x2a: {  	p0 =	seq.s32 s5, $0x0;
	s5 =	sld [smem:$0x3FB0]  }
0x2b: {  	s6 =	sld [smem:$0x3FB1]  }
0x2c: {  	s7 =	sld [smem:$0x3FB2]  }
0x2d: {  	s3 =	simm.s32 $0x108;
	s8 =	sld [smem:$0x3FB3]  }
0x2e: {  	s3 =	simm.s32 @!p0 $0x1082;
	s9 =	sld [smem:$0x3FB4]  }
0x2f: {  	lr =	sadd.s32 s0, s3;
	s0 =	sld [smem:$0x3FAB]  }
0x30: {  	s3 =	sld [smem:$0x3FAE]  }
0x31: {  	[smem:$0x3FB7] =	sst s10  }
0x32: {  	s10 =	sld [smem:$0x3FB5];
	_ =	sdelay $0x3  }
0x33: {  	p0 =	seq.s32 s10, $0x1;
	s10 =	sld [smem:$0x3FB7];
	_ =	sdelay $0x3  }
0x34: {  	[smem:$0x3FB7] =	sst s10  }
0x35: {  	s10 =	sld [smem:$0x3FB6];
	_ =	sdelay $0x3  }
0x36: {  	p1 =	seq.s32 s10, $0x1;
	s10 =	sld [smem:$0x3FB7];
	_ =	sdelay $0x3  }
0x37: {  	[smem:$0x3FB7] =	sst s10  }
0x38: {  	s10 =	sld [smem:$0x3FB8]  }
0x39: {  	_ = 	snop;
	(pc) =	sbr.ind lr, $3  }
0x3a: {  	_ = 	snop  }
0x3b: {  	_ = 	snop  }
0x3c: {  	p2 =	seq.s32 s10, $0x1;
	s10 =	sld [smem:$0x3FB7]  }
0x3d: {  	_ =	shalt  }
0x3e: {  	_ =	shalt  }
0x3f: {  	_ =	shalt  }
0x40: {  	_ =	shalt  }
0x41: {  	_ =	shalt  }
0x42: {  	_ =	shalt  }
0x43: {  	_ =	shalt  }
0x44: {  	_ =	shalt  }
0x45: {  	_ =	shalt  }
0x46: {  	_ =	shalt  }
0x47: {  	_ =	shalt  }
0x48: {  	_ =	shalt  }
0x49: {  	_ =	shalt  }
0x4a: {  	_ =	shalt  }
0x4b: {  	_ =	shalt  }
0x4c: {  	_ =	shalt  }
0x4d: {  	_ =	shalt  }
0x4e: {  	_ =	shalt  }
0x4f: {  	_ =	shalt  }
0x50: {  	_ =	shalt  }
0x51: {  	_ =	shalt  }
0x52: {  	_ =	shalt  }
0x53: {  	_ =	shalt  }
0x54: {  	_ =	shalt  }
0x55: {  	_ =	shalt  }
0x56: {  	_ =	shalt  }
0x57: {  	_ =	shalt  }
0x58: {  	_ =	shalt  }
0x59: {  	_ =	shalt  }
0x5a: {  	_ =	shalt  }
0x5b: {  	_ =	shalt  }
0x5c: {  	_ =	shalt  }
0x5d: {  	_ =	shalt  }
0x5e: {  	_ =	shalt  }
0x5f: {  	_ =	shalt  }
0x60: {  	_ =	shalt  }
0x61: {  	_ =	shalt  }
0x62: {  	_ =	shalt  }
0x63: {  	_ =	shalt  }
0x64: {  	_ =	shalt  }
0x65: {  	_ =	shalt  }
0x66: {  	_ =	shalt  }
0x67: {  	_ =	shalt  }
0x68: {  	_ =	shalt  }
0x69: {  	_ =	shalt  }
0x6a: {  	_ =	shalt  }
0x6b: {  	_ =	shalt  }
0x6c: {  	_ =	shalt  }
0x6d: {  	_ =	shalt  }
0x6e: {  	_ =	shalt  }
0x6f: {  	_ =	shalt  }
0x70: {  	_ =	shalt  }
0x71: {  	_ =	shalt  }
0x72: {  	_ =	shalt  }
0x73: {  	_ =	shalt  }
0x74: {  	_ =	shalt  }
0x75: {  	_ =	shalt  }
0x76: {  	_ =	shalt  }
0x77: {  	_ =	shalt  }
0x78: {  	_ =	shalt  }
0x79: {  	_ =	shalt  }
0x7a: {  	_ =	shalt  }
0x7b: {  	_ =	shalt  }
0x7c: {  	_ =	shalt  }
0x7d: {  	_ =	shalt  }
0x7e: {  	_ =	shalt  }
0x7f: {  	_ =	shalt  }
0x80: {  	_ =	shalt  }
0x81: {  	_ =	shalt  }
0x82: {  	_ =	shalt  }
0x83: {  	_ =	shalt  }
0x84: {  	_ =	shalt  }
0x85: {  	_ =	shalt  }
0x86: {  	_ =	shalt  }
0x87: {  	_ =	shalt  }
.Lfunc_end0:
.L_simem_size_0:
called_computation_lowered:
.L_overlay_start_0:
0x88: {  	s2 =	sld [smem:$0x3FD9]  }
0x89: {  	s3 =	sld [smem:$0x3FFE];
	_ =	sdelay $0x1  }
0x8a: {  	s1 =	srdreg.scid  }
0x8b: {  	s0 =	sand.u32 $0x1, s1  }
0x8c: {  	s16 =	sshll.u32 s0, $0xA;
	s2 =	sadd.s32 s3, s2  }
0x8d: {  	s2 =	sadd.s32 s2, s16  }
0x8e: {  	[smem:$0x3FC3] =	sst s2  }
0x8f: {  	_ = 	snop  }
0x90: {  	(tm) =	ssettm $0x1  }
0x91: {  	s17 =	sld [smem:$0x3FFB];
	_ =	sdelay $0x3  }
0x92: {  	_ =	strace s17  }
0x93: {  	s2 =	sld [smem:$0x3FFC];
	_ =	sdelay $0x3  }
0x94: {  	_ =	strace s2  }
0x95: {  	s2 =	sld [smem:$0x3FFD];
	_ =	sdelay $0x3  }
0x96: {  	_ =	strace s2  }
0x97: {  	_ =	strace $0x8FFFFFFF  }
0x98: {  	s18 =	sld [smem:$0x3FDB];
	_ =	sdelay $0x1  }
0x99: {  	s19 =	simm.s32 $_scs_section_size  }
0x9a: {  	s4 =	simm.s32 $_size__tile_overlayer_lowered;
	s5 =	simm.s32 $_tile_overlayer_lowered  }
0x9b: {  	s22 =	simm.s32 $0x1BFF;
	s21 =	sshll.u32 s5, $0x1;
	s2 =	sadd.s32 s19, s18  }
0x9c: {  	s6 =	simm.s32 $0x0;
	s20 =	sshll.u32 s4, $0x1;
	s4 =	sadd.s32 s21, s2  }
0x9d: {  	[timem:s6], [sflag:s22] =	dma.local [hbm:s4], s20  }
0x9e: {  	_ =	swait.ge [sflag:s22], s20  }
0x9f: {  	s3 =	ssub.s32 $0x0, s20;
	[sflag:s22] =	ssyncset.done $0x0  }
0xa0: {  	[sflag:s22] =	ssyncadd.s32 s3;
	_ =	sdelay $0x1  }
0xa1: {  	s23 =	simm.s32 $0x1B8B  }
0xa2: {  	_ =	swait.ge [sflag:s23], $0x1  }
0xa3: {  	[sflag:s23] =	ssyncset.done $0x0  }
0xa4: {  	s25 =	simm.s32 $0x1B8E;
	s24 =	sld [smem:$0x3FFE];
	[sflag:s23] =	ssyncadd.s32 $0xFFFFFFFF  }
0xa5: {  	s26 =	simm.s32 $execute0_lowered;
	[smem:$0x3FD2] =	sst s25  }
0xa6: {  	s4 =	sshll.u32 s26, $0x1;
	_ =	strace $0x80000046;
	[dreg:$0x1] =	wrdreg $0xFFFFFFFF  }
0xa7: {  	s28 =	simm.s32 $_size_execute0_lowered;
	s2 =	sadd.s32 s2, s4;
	[dreg:$0x0] =	wrdreg $0x0  }
0xa8: {  	s4 =	sshll.u32 s28, $0x1;
	[dreg:$0x2] =	wrdreg s2  }
0xa9: {  	[dreg:$0x3] =	wrdreg s4  }
0xaa: {  	[dreg:$0x4] =	wrdreg $0xC0  }
0xab: {  	_ =	task [dreg:s6], $0x5FFFF  }
0xac: {  	[dreg:$0x1] =	wrdreg $0xFFFFFFFF  }
0xad: {  	[dreg:$0x0] =	wrdreg $0x60  }
0xae: {  	[dreg:$0x2] =	wrdreg s24  }
0xaf: {  	[dreg:$0x3] =	wrdreg $0x9  }
0xb0: {  	_ =	task.clear_ibuf [dreg:s6], $0x4FFFF;
	_ =	strace $0x90000046  }
0xb1: {  	s29 =	simm.s32 $0x9;
	_ =	strace $0x80000048  }
0xb2: {  	_ =	swait.ge [sflag:s29], $0x1  }
0xb3: {  	[sflag:s29] =	ssyncadd.s32 $0xFFFFFFFF  }
0xb4: {  	_ =	strace $0x90000048  }
0xb5: {  	_ =	sfence  }
0xb6: {  	s30 =	sld [smem:$0x0];
	_ =	sdelay $0x2  }
0xb7: {  	s31 =	sshll.u32 s1, $0xD;
	s1 =	sshrl.u32 s1, $0x2  }
0xb8: {  	s3 =	sand.u32 $0x4000, s31;
	s1 =	sadd.s32 s1, s30  }
0xb9: {  	s0 =	sor.u32 s3, s0;
	s1 =	sshll.u32 s1, $0x11  }
0xba: {  	s0 =	sor.u32 s1, s0  }
0xbb: {  	s0 =	sadd.s32 $0x8F2B, s0  }
0xbc: {  	[sflag:s0] =	ssyncadd.remote.s32 $0x1  }
0xbd: {  	_ =	sfence.sel $0xFFFF  }
0xbe: {  	[dreg:$0x0] =	wrdreg $0xFFFFFFFF;
	(pc) =	sbr.abs _section_cstart, $3  }
0xbf: {  	[dreg:$0x1] =	wrdreg $0xFFFFFFFF  }
0xc0: {  	_ =	task.clear_ibuf [dreg:s6], $0x2FFFF;
	_ =	strace $0x9FFFFFFF  }
0xc1: {  	(tm) =	ssettm $0x7FFFFFFF  }
tec
execute0_lowered:
.L_overlay_start_1:
0x0: {  	(tag) =	ssettag $0x1  }
0x1: {  	s20 =	rddreg [dreg:$0x0]  }
0x2: {  	s0 =	rddreg [dreg:$0x1];
	s2 =	simm.s32 $0x0  }
0x3: {  	s3 =	srdreg.scid;
	s1 =	stileid.u32;
	s4 =	simm.s32 $0x2  }
0x4: {  	[smem:$0x7FF] =	sst s2;
	s18 =	sand.u32 $0x1, s3;
	s30 =	sshll.u32 s1, $0x1  }
0x5: {  	s3 =	sadd.s32 $0xB400, s20;
	_ =	strace $0x80000047;
	s21 =	sor.u32 s18, s30  }
0x6: {  	[tilespmem:s2], [sflag:$0x2] =	stream.linear.gather [hbm4b:s3+s2], $0x3000, $0x38;
	[tilespmem:$0x10080] =	vst v63  }
0x7: {  	s6 =	smul.u32 $0x600, s21;
	_ =	swait.ge [sflag:s4], $0x3000  }
0x8: {  	s7 =	simm.s32 $0x80;
	s8 =	simm.s32 $0x3000;
	[sflag:s4] =	ssyncset.done $0x0  }
0x9: {  	s5 =	sadd.s32 $0x18D400, s20;
	s6 =	sshrl.u32 s6, $0x2;
	[sflag:s4] =	ssyncadd.s32 $0xFFFFD000  }
0xa: {  	[tilespmem:s8], [sflag:$0x1] =	stream.indirect.gather [hbm4b:s5+s7], $0x80, s6, s7, $0xb8;
	[tilespmem:$0x10080] =	vst v63  }
0xb: {  	s10 =	simm.s32 $0x7000;
	s9 =	sadd.s32 $0x80, s6  }
0xc: {  	[tilespmem:s10], [sflag:$0x1] =	stream.indirect.gather [hbm4b:s5+s7], $0x80, s9, s7, $0xb8;
	[tilespmem:$0x10080] =	vst v63  }
0xd: {  	s12 =	simm.s32 $0xB000;
	s13 =	simm.s32 $0x1;
	s11 =	sadd.s32 $0x100, s6  }
0xe: {  	[tilespmem:s12], [sflag:$0x1] =	stream.indirect.gather [hbm4b:s5+s7], $0x80, s11, s7, $0xb8;
	[tilespmem:$0x10080] =	vst v63  }
0xf: {  	_ =	swait.ge [sflag:s13], $0x4000  }
0x10: {  	[sflag:s13] =	ssyncset.done $0x0  }
0x11: {  	[sflag:s13] =	ssyncadd.s32 $0xFFFFC000  }
0x12: {  	_ =	swait.ge [sflag:s13], $0x4000  }
0x13: {  	[sflag:s13] =	ssyncset.done $0x0  }
0x14: {  	s14 =	smul.u32 $0x1800, s21;
	[sflag:s13] =	ssyncadd.s32 $0xFFFFC000  }
0x15: {  	_ =	swait.ge [sflag:s13], $0x4000  }
0x16: {  	s14 =	sadd.s32 s14, s20;
	[sflag:s13] =	ssyncset.done $0x0  }
0x17: {  	s16 =	simm.s32 $0xF000;
	s14 =	sadd.s32 $0xBE00, s14;
	[sflag:s13] =	ssyncadd.s32 $0xFFFFC000  }
0x18: {  	[hbm4b:s14+s2] =	stream.linear.scatter [tilespmem:s8], [sflag:$0x2], $0xC000, $0x38;
	[tilespmem:$0x10080] =	vst v63  }
0x19: {  	s19 =	simm.s32 $0xF080;
	s15 =	sshll.u32 s21, $0x2;
	_ =	swait.ge [sflag:s4], $0xC000  }
0x1a: {  	s17 =	sadd.s32 $0x2200, s20;
	s15 =	sadd.s32 s15, s20;
	[sflag:s4] =	ssyncset.done $0x0  }
0x1b: {  	s22 =	ssub.s32 $0x2, s18;
	s15 =	sadd.s32 $0xBC00, s15;
	[sflag:s4] =	ssyncadd.s32 $0xFFFF4000  }
0x1c: {  	[tilespmem:s16], [sflag:$0x2] =	stream.linear.gather [hbm4b:s15+s2], $0x20, $0x38;
	[tilespmem:$0x10080] =	vst v63  }
0x1d: {  	s18 =	simm.s32 $0x20;
	s23 =	sshrl.u32 s22, $0x1;
	_ =	swait.ge [sflag:s4], $0x20  }
0x1e: {  	s21 =	sshll.u32 s21, $0x9;
	s31 =	ssub.s32 s22, s23;
	[sflag:s4] =	ssyncset.done $0x0  }
0x1f: {  	s20 =	sadd.s32 s21, s20;
	s21 =	smax.u32 s31, $0x1;
	[sflag:s4] =	ssyncadd.s32 $0xFFFFFFE0  }
0x20: {  	[tilespmem:s19], [sflag:$0x1] =	stream.indirect.gather [hbm4b:s17+s18], $0x80, s16, s18, $0xb8;
	[tilespmem:$0x10080] =	vst v63  }
0x21: {  	p0 =	sne.s32 s21, $0x1;
	_ =	swait.ge [sflag:s13], $0x1000  }
.Ltmp0:
0x22: {  	[sflag:s13] =	ssyncset.done $0x0;
	(pc) =	sbr.rel @!p0 .LBB2_2-.Ltmp0, $4  }
0x23: {  	s20 =	sadd.s32 $0x3BE00, s20;
	[sflag:s13] =	ssyncadd.s32 $0xFFFFF000  }
0x24: {  	[hbm4b:s20+s2] =	stream.linear.scatter [tilespmem:s19], [sflag:$0x2], $0x1000, $0x38;
	[tilespmem:$0x10080] =	vst v63  }
0x25: {  	_ =	swait.ge [sflag:s4], $0x1000  }
0x26: {  	s21 =	sadd.s32 $0xFFFFFFFF, s21;
	[sflag:s4] =	ssyncset.done $0x0  }
.LBB2_1:
0x27: {  	p0 =	sne.s32 s21, $0x1;
	s21 =	sadd.s32 $0xFFFFFFFF, s21;
	[sflag:s4] =	ssyncadd.s32 $0xFFFFF000  }
0x28: {  	[tilespmem:s2], [sflag:$0x2] =	stream.linear.gather [hbm4b:s3+s2], $0x3000, $0x38;
	[tilespmem:$0x10080] =	vst v63  }
0x29: {  	_ =	swait.ge [sflag:s4], $0x3000  }
0x2a: {  	[sflag:s4] =	ssyncset.done $0x0  }
0x2b: {  	[sflag:s4] =	ssyncadd.s32 $0xFFFFD000  }
0x2c: {  	[tilespmem:s8], [sflag:$0x1] =	stream.indirect.gather [hbm4b:s5+s7], $0x80, s6, s7, $0xb8;
	[tilespmem:$0x10080] =	vst v63  }
0x2d: {  	_ = 	snop  }
0x2e: {  	[tilespmem:s10], [sflag:$0x1] =	stream.indirect.gather [hbm4b:s5+s7], $0x80, s9, s7, $0xb8;
	[tilespmem:$0x10080] =	vst v63  }
0x2f: {  	_ = 	snop  }
0x30: {  	[tilespmem:s12], [sflag:$0x1] =	stream.indirect.gather [hbm4b:s5+s7], $0x80, s11, s7, $0xb8;
	[tilespmem:$0x10080] =	vst v63  }
0x31: {  	_ =	swait.ge [sflag:s13], $0x4000  }
0x32: {  	[sflag:s13] =	ssyncset.done $0x0  }
0x33: {  	[sflag:s13] =	ssyncadd.s32 $0xFFFFC000  }
0x34: {  	_ =	swait.ge [sflag:s13], $0x4000  }
0x35: {  	[sflag:s13] =	ssyncset.done $0x0  }
0x36: {  	[sflag:s13] =	ssyncadd.s32 $0xFFFFC000  }
0x37: {  	_ =	swait.ge [sflag:s13], $0x4000  }
0x38: {  	[sflag:s13] =	ssyncset.done $0x0  }
0x39: {  	[sflag:s13] =	ssyncadd.s32 $0xFFFFC000  }
0x3a: {  	[hbm4b:s14+s2] =	stream.linear.scatter [tilespmem:s8], [sflag:$0x2], $0xC000, $0x38;
	[tilespmem:$0x10080] =	vst v63  }
0x3b: {  	_ =	swait.ge [sflag:s4], $0xC000  }
0x3c: {  	[sflag:s4] =	ssyncset.done $0x0  }
0x3d: {  	[sflag:s4] =	ssyncadd.s32 $0xFFFF4000  }
0x3e: {  	[tilespmem:s16], [sflag:$0x2] =	stream.linear.gather [hbm4b:s15+s2], $0x20, $0x38;
	[tilespmem:$0x10080] =	vst v63  }
0x3f: {  	_ =	swait.ge [sflag:s4], $0x20  }
0x40: {  	[sflag:s4] =	ssyncset.done $0x0  }
0x41: {  	[sflag:s4] =	ssyncadd.s32 $0xFFFFFFE0  }
0x42: {  	[tilespmem:s19], [sflag:$0x1] =	stream.indirect.gather [hbm4b:s17+s18], $0x80, s16, s18, $0xb8;
	[tilespmem:$0x10080] =	vst v63  }
0x43: {  	_ =	swait.ge [sflag:s13], $0x1000  }
.Ltmp1:
0x44: {  	[sflag:s13] =	ssyncset.done $0x0;
	(pc) =	sbr.rel @p0 .LBB2_1-.Ltmp1, $4  }
0x45: {  	[sflag:s13] =	ssyncadd.s32 $0xFFFFF000  }
0x46: {  	[hbm4b:s20+s2] =	stream.linear.scatter [tilespmem:s19], [sflag:$0x2], $0x1000, $0x38;
	[tilespmem:$0x10080] =	vst v63  }
0x47: {  	_ =	swait.ge [sflag:s4], $0x1000  }
0x48: {  	[sflag:s4] =	ssyncset.done $0x0  }
.LBB2_2:
0x49: {  	[sflag:s4] =	ssyncadd.s32 $0xFFFFF000  }
0x4a: {  	_ =	sfence.sel $0x180000  }
0x4b: {  	[bflag:$0x0] =	sbarrier.arrive $0xFFFF  }
0x4c: {  	p0 =	sne.s32 s1, $0x0;
	_ =	strace $0x90000047  }
0x4d: {  	s0 =	sadd.s32 @!p0 $0x100000, s0;
	[bflag:$0x2] =	sbarrier.arrive $0xFFFF  }
0x4e: {  	[sflag:s0] =	ssyncadd.tile.s32 @!p0 $0x1;
	_ =	shalt  }
.Lfunc_end2:
_tile_overlayer_lowered:
.L_overlay_start_2:
0x4f: {  	(tag) =	ssettag $0x2  }
0x50: {  	s0 =	rddreg [dreg:$0x0];
	s2 =	stileid.u32  }
0x51: {  	s1 =	rddreg [dreg:$0x1];
	p0 =	sne.s32 s2, $0x0  }
0x52: {  	s3 =	rddreg [dreg:$0x2];
	[bflag:$0x3] =	sbarrier.arrive $0xFFFF;
	s2 =	simm.s32 @!p0 $0x1C02  }
0x53: {  	[timem:s3], [sflag:s2] =	dma.local @!p0 [hbm:s0], s1  }
0x54: {  	s0 =	simm.s32 @!p0 $0x2  }
0x55: {  	_ =	swait.ge @!p0 [sflag:s0], s1  }
0x56: {  	s1 =	ssub.s32 @!p0 $0x0, s1;
	[sflag:s0] =	ssyncset.done @!p0 $0x0  }
0x57: {  	[sflag:s0] =	ssyncadd.s32 @!p0 s1  }
0x58: {  	[bflag:$0x3] =	sbarrier.arrive $0xFFFF  }
0x59: {  	_ =	shalt  }

</sc_bundles>
